<compile_context>
chip_gen: v7x
topology: tpu7x:2x2x1
jax: 0.10.2.dev20260603
libtpu: 0.0.44.dev20260713+nightly
codegen_flags: <defaults>
</compile_context>

<pallas_src>
import functools

import jax
import jax.numpy as jnp
from jax import lax
from jax.experimental import pallas as pl
from jax.experimental.pallas import tpu as pltpu
from jax.experimental.pallas import tpu_sc as plsc

N_NODES = 10000
N_DIH = 320000
SDIM = 128
HID = 64

NC = 2
NS = 16

G_EDGES_PT = N_DIH // NS
G_CH = 80
G_NCH = G_EDGES_PT // G_CH
G_SLAB = 10
G_NSLAB = G_NCH // G_SLAB
G_SLAB_ROWS = G_SLAB * G_CH
S_SLAB = 2
S_NSLAB = G_NCH // S_SLAB
S_SLAB_ROWS = S_SLAB * G_CH

_PREC = lax.Precision.HIGHEST


def _proj_body(x_ref, w1_ref, b1_ref, out_ref):
    xv = x_ref[...]
    a = jnp.dot(xv, w1_ref[0:SDIM, :], preferred_element_type=jnp.float32,
                precision=_PREC) + b1_ref[...]
    b = jnp.dot(xv, w1_ref[SDIM:2 * SDIM, :], preferred_element_type=jnp.float32,
                precision=_PREC)
    out_ref[:, :HID] = a
    out_ref[:, HID:] = b


_proj = pl.pallas_call(
    _proj_body,
    out_shape=jax.ShapeDtypeStruct((N_NODES, SDIM), jnp.float32),
)


def _sc_gather_body(tbl_hbm, gidx_hbm, out_hbm, idx_v, rows_v, sem_g, sem_w):
    cid = lax.axis_index("c")
    sid = lax.axis_index("s")
    base = sid * G_EDGES_PT

    def slab(p, carry):
        @pl.when(p > 0)
        def _():
            pltpu.make_async_copy(rows_v, out_hbm.at[cid, pl.ds(0, G_SLAB_ROWS)],
                                  sem_w).wait()

        pltpu.sync_copy(gidx_hbm.at[cid, sid, p], idx_v)
        for u in range(G_SLAB):
            pltpu.async_copy(tbl_hbm.at[idx_v.at[u]],
                             rows_v.at[pl.ds(u * G_CH, G_CH)], sem_g)
        for u in range(G_SLAB):
            pltpu.make_async_copy(tbl_hbm.at[idx_v.at[u]],
                                  rows_v.at[pl.ds(u * G_CH, G_CH)],
                                  sem_g).wait()
        pltpu.async_copy(rows_v,
                         out_hbm.at[cid, pl.ds(base + p * G_SLAB_ROWS,
                                               G_SLAB_ROWS)], sem_w)
        return carry

    lax.fori_loop(0, G_NSLAB, slab, 0)
    pltpu.make_async_copy(rows_v, out_hbm.at[cid, pl.ds(0, G_SLAB_ROWS)],
                          sem_w).wait()


@functools.cache
def _get_sc_gather():
    return pl.kernel(
        _sc_gather_body,
        out_type=jax.ShapeDtypeStruct((2, N_DIH, SDIM), jnp.float32),
        mesh=plsc.VectorSubcoreMesh(core_axis_name="c", subcore_axis_name="s",
                                    num_cores=NC, num_subcores=NS),
        scratch_types=[
            pltpu.VMEM((G_SLAB, G_CH), jnp.int32),
            pltpu.VMEM((G_SLAB_ROWS, SDIM), jnp.float32),
            pltpu.SemaphoreType.DMA,
            pltpu.SemaphoreType.DMA,
        ],
    )


E_BLK = 4000


def _mlp_body(ga_ref, gb_ref, attr_ref, w1c_ref, w2_ref, b2_ref, out_ref):
    a = attr_ref[...]
    w1c = w1c_ref[...]
    t = ga_ref[0][:, :HID] + gb_ref[0][:, HID:]
    t = t + a[:, 0:1] * w1c[0:1, :]
    t = t + a[:, 1:2] * w1c[1:2, :]
    t = t + a[:, 2:3] * w1c[2:3, :]
    h1 = t * jax.nn.sigmoid(t)
    u = jnp.dot(h1, w2_ref[...], preferred_element_type=jnp.float32,
                precision=_PREC) + b2_ref[...]
    h2 = u * jax.nn.sigmoid(u)
    out_ref[:, :HID] = h2
    out_ref[:, HID:HID + 16] = jnp.ones((E_BLK, 16), jnp.float32)
    out_ref[:, HID + 16:] = jnp.zeros((E_BLK, SDIM - HID - 16), jnp.float32)


_mlp = pl.pallas_call(
    _mlp_body,
    grid=(N_DIH // E_BLK,),
    in_specs=[
        pl.BlockSpec((1, E_BLK, SDIM), lambda i: (0, i, 0)),
        pl.BlockSpec((1, E_BLK, SDIM), lambda i: (1, i, 0)),
        pl.BlockSpec((E_BLK, 3), lambda i: (i, 0)),
        pl.BlockSpec((3, HID), lambda i: (0, 0)),
        pl.BlockSpec((HID, HID), lambda i: (0, 0)),
        pl.BlockSpec((1, HID), lambda i: (0, 0)),
    ],
    out_specs=pl.BlockSpec((E_BLK, SDIM), lambda i: (i, 0)),
    out_shape=jax.ShapeDtypeStruct((N_DIH, SDIM), jnp.float32),
)


def _sc_scatter_body(h2_hbm, cidx_hbm, zs_hbm,
                     sout_hbm,
                     iv_a, iv_b, rows_a, rows_b, s_sh,
                     sem_l, sem_sa, sem_sb):
    cid = lax.axis_index("c")
    sid = lax.axis_index("s")

    @pl.when(sid == 0)
    def _():
        pltpu.sync_copy(zs_hbm, s_sh)

    plsc.subcore_barrier()
    base = sid * G_EDGES_PT

    def _drain(sem):
        for _u in range(S_SLAB):
            pltpu.make_async_copy(zs_hbm.at[pl.ds(0, G_CH)],
                                  rows_a.at[pl.ds(0, G_CH)], sem).wait()

    def _do_slab(s, iv, rows_v, sem_s):
        pltpu.sync_copy(cidx_hbm.at[cid, sid, s], iv)
        pltpu.async_copy(h2_hbm.at[pl.ds(base + s * S_SLAB_ROWS, S_SLAB_ROWS)],
                         rows_v, sem_l).wait()
        for u in range(S_SLAB):
            pltpu.async_copy(rows_v.at[pl.ds(u * G_CH, G_CH)],
                             s_sh.at[iv.at[u]], sem_s, add=True)

    def pair(t, carry):
        @pl.when(t > 0)
        def _():
            _drain(sem_sa)

        _do_slab(2 * t, iv_a, rows_a, sem_sa)

        @pl.when(t > 0)
        def _():
            _drain(sem_sb)

        _do_slab(2 * t + 1, iv_b, rows_b, sem_sb)
        return carry

    lax.fori_loop(0, S_NSLAB // 2, pair, 0)
    _drain(sem_sa)
    _do_slab(S_NSLAB - 1, iv_a, rows_a, sem_sa)
    _drain(sem_sa)
    _drain(sem_sb)
    plsc.subcore_barrier()

    @pl.when(sid == 0)
    def _():
        pltpu.sync_copy(s_sh, sout_hbm.at[cid])


@functools.cache
def _get_sc_scatter():
    return pl.kernel(
        _sc_scatter_body,
        out_type=jax.ShapeDtypeStruct((NC, N_NODES, SDIM), jnp.float32),
        mesh=plsc.VectorSubcoreMesh(core_axis_name="c", subcore_axis_name="s",
                                    num_cores=NC, num_subcores=NS),
        scratch_types=[
            pltpu.VMEM((S_SLAB, G_CH), jnp.int32),
            pltpu.VMEM((S_SLAB, G_CH), jnp.int32),
            pltpu.VMEM((S_SLAB_ROWS, SDIM), jnp.float32),
            pltpu.VMEM((S_SLAB_ROWS, SDIM), jnp.float32),
            pltpu.VMEM_SHARED((N_NODES, SDIM), jnp.float32),
            pltpu.SemaphoreType.DMA,
            pltpu.SemaphoreType.DMA,
            pltpu.SemaphoreType.DMA,
        ],
    )


def _final_body(s_ref, w3_ref, b3_ref, wout_ref, out_ref):
    sj = s_ref[0, :, :HID]
    sk = s_ref[1, :, :HID]
    cj = s_ref[0, :, HID:HID + 1]
    ck = s_ref[1, :, HID:HID + 1]
    y = sj / jnp.maximum(cj, 1.0) + sk / jnp.maximum(ck, 1.0)
    ind = (cj > 0.0).astype(jnp.float32) + (ck > 0.0).astype(jnp.float32)
    w3w = jnp.dot(w3_ref[...], wout_ref[...], preferred_element_type=jnp.float32,
                  precision=_PREC)
    b3w = jnp.dot(b3_ref[...], wout_ref[...], preferred_element_type=jnp.float32,
                  precision=_PREC)
    out = jnp.dot(y, w3w, preferred_element_type=jnp.float32,
                  precision=_PREC) + ind * b3w
    out_ref[...] = out * (0.5 / (SDIM ** 0.5))


_final = pl.pallas_call(
    _final_body,
    out_shape=jax.ShapeDtypeStruct((N_NODES, SDIM), jnp.float32),
)


def kernel(x, quadra_index, quadra_attr, W1, b1, W2, b2, W3, b3, Wout):
    f32 = jnp.float32
    b1r = b1.reshape(1, HID)
    b2r = b2.reshape(1, HID)
    b3r = b3.reshape(1, SDIM)

    tbl = _proj(x, W1, b1r)

    ii = quadra_index[0]
    jj = quadra_index[1]
    kk = quadra_index[2]
    ll = quadra_index[3]
    gidx = jnp.stack([ii, ll]).reshape(NC, NS, G_NSLAB, G_SLAB, G_CH)
    cidx = jnp.stack([jj, kk]).reshape(NC, NS, S_NSLAB, S_SLAB, G_CH)

    g = _get_sc_gather()(tbl, gidx)

    h2 = _mlp(g, g, quadra_attr, W1[2 * SDIM:], W2, b2r)

    zs = jnp.zeros((N_NODES, SDIM), f32)
    sacc = _get_sc_scatter()(h2, cidx, zs)

    return _final(sacc, W3, b3r, Wout)

# --- scband reference (transcript-rebuilt; emitter-appended) ---
"""Pipeline reference for scband-dihedral-message-passing-34093450396331 (READ-ONLY COPY).

The authoritative reference and input builder live on the scoring server;
editing this copy changes nothing except your own understanding.
"""

import jax, jax.numpy as jnp
import numpy as np

N_NODES = 10000
N_DIH = 320000
SCALAR_DIM = 128
ATTR_DIM = 3
HIDDEN = 64
OUT_DIM = 128


def setup_inputs(seed: int = 0) -> dict:
    key = jax.random.key(seed)
    ks = jax.random.split(key, 12)
    x = jax.random.normal(ks[0], (N_NODES, SCALAR_DIM), dtype=jnp.float32)
    quadra_index = jax.random.randint(ks[1], (4, N_DIH), 0, N_NODES, dtype=jnp.int32)
    quadra_attr = jax.random.normal(ks[2], (N_DIH, ATTR_DIM), dtype=jnp.float32)
    in_dim = SCALAR_DIM * 2 + ATTR_DIM
    # MLP params (Linear -> SiLU -> Linear -> SiLU -> Linear)
    W1 = jax.random.normal(ks[3], (in_dim, HIDDEN), dtype=jnp.float32) * (1.0 / np.sqrt(in_dim))
    b1 = jnp.zeros((HIDDEN,), dtype=jnp.float32)
    W2 = jax.random.normal(ks[4], (HIDDEN, HIDDEN), dtype=jnp.float32) * (1.0 / np.sqrt(HIDDEN))
    b2 = jnp.zeros((HIDDEN,), dtype=jnp.float32)
    W3 = jax.random.normal(ks[5], (HIDDEN, SCALAR_DIM), dtype=jnp.float32) * (1.0 / np.sqrt(HIDDEN))
    b3 = jnp.zeros((SCALAR_DIM,), dtype=jnp.float32)
    # o3.Linear (128x0e -> 128x0e): single scalar path, weight normalized by sqrt(fan_in), no bias
    Wout = jax.random.normal(ks[6], (SCALAR_DIM, OUT_DIM), dtype=jnp.float32)
    return {"x": x, "quadra_index": quadra_index, "quadra_attr": quadra_attr,
            "W1": W1, "b1": b1, "W2": W2, "b2": b2, "W3": W3, "b3": b3, "Wout": Wout}


def _scatter_mean(msgs, idx, num_segments):
    s = jax.ops.segment_sum(msgs, idx, num_segments=num_segments)
    cnt = jax.ops.segment_sum(jnp.ones((msgs.shape[0],), dtype=msgs.dtype), idx, num_segments=num_segments)
    return s / jnp.maximum(cnt, 1.0)[:, None]


def reference(x, quadra_index, quadra_attr, W1, b1, W2, b2, W3, b3, Wout):
    x_scalar = x[:, :SCALAR_DIM]
    i, j, k, l = quadra_index[0], quadra_index[1], quadra_index[2], quadra_index[3]
    x_i = jnp.take(x_scalar, i, axis=0)
    x_l = jnp.take(x_scalar, l, axis=0)
    dihedral_input = jnp.concatenate([x_i, x_l, quadra_attr], axis=-1)
    h = jax.nn.silu(dihedral_input @ W1 + b1)
    h = jax.nn.silu(h @ W2 + b2)
    dihedral_messages = h @ W3 + b3
    aggr_j = _scatter_mean(dihedral_messages, j, x.shape[0])
    aggr_k = _scatter_mean(dihedral_messages, k, x.shape[0])
    dihedral_aggr = (aggr_j + aggr_k) / 2.0
    # e3nn o3.Linear on scalars: path-normalized linear, no bias
    output = (dihedral_aggr @ Wout) / np.sqrt(SCALAR_DIM)
    return output

if __name__ == "__main__":
    import jax
    _d = setup_inputs()
    print(jax.jit(kernel)(*tuple(_d.values())))

</pallas_src>

<mosaic_0001>
#map = affine_map<(d0, d1) -> (0, 0)>
#map1 = affine_map<(d0, d1) -> (0, 0, 0, 0, 0)>
#map2 = affine_map<(d0, d1) -> (0, 0, 0)>
module attributes {stable_mosaic.version = 14 : i64} {
  func.func @_sc_scatter_body(%arg0: i32, %arg1: i32, %arg2: memref<320000x128xf32, #tpu.memory_space<hbm>>, %arg3: memref<2x16x125x2x80xi32, #tpu.memory_space<hbm>>, %arg4: memref<10000x128xf32, #tpu.memory_space<hbm>>, %arg5: memref<2x10000x128xf32, #tpu.memory_space<hbm>>, %arg6: memref<2x80xi32, #tpu.memory_space<vmem>>, %arg7: memref<2x80xi32, #tpu.memory_space<vmem>>, %arg8: memref<160x128xf32, #tpu.memory_space<vmem>>, %arg9: memref<160x128xf32, #tpu.memory_space<vmem>>, %arg10: memref<10000x128xf32, #tpu.memory_space<vmem_shared>>, %arg11: memref<!tpu.dma_semaphore, #tpu.memory_space<semaphore_mem>>, %arg12: memref<!tpu.dma_semaphore, #tpu.memory_space<semaphore_mem>>, %arg13: memref<!tpu.dma_semaphore, #tpu.memory_space<semaphore_mem>>) attributes {dimension_semantics = [#tpu.dimension_semantics<core_parallel>, #tpu.dimension_semantics<subcore_parallel>], iteration_bounds = array<i64: 2, 16>, scalar_prefetch = 0 : i64, scratch_operands = 8 : i64, tpu.core_type = #tpu.core_type<sc_vector_subcore>, window_params = [{transform_indices = #map}, {transform_indices = #map1}, {transform_indices = #map}, {transform_indices = #map2}]} {
    %eq3A = arith.constant 0 : i32
    %eq3A_0 = arith.cmpi eq, %arg1, %eq3A : i32
    %convert_element_type3A = arith.extui %eq3A_0 : i1 to i32
    %cond3A = arith.constant 0 : i32
    %cond3A_1 = arith.cmpi ne, %convert_element_type3A, %cond3A : i32
    scf.if %cond3A_1 {
      "tpu.region"() ({
        %run_scoped3A_113 = tpu.sem_alloc : memref<!tpu.dma_semaphore, #tpu.memory_space<semaphore_mem>>
        tpu.enqueue_dma source(%arg4 : memref<10000x128xf32, #tpu.memory_space<hbm>>) target(%arg10 : memref<10000x128xf32, #tpu.memory_space<vmem_shared>>) target_semaphore(%run_scoped3A_113 : memref<!tpu.dma_semaphore, #tpu.memory_space<semaphore_mem>>)
        tpu.wait_dma2 semaphore(%run_scoped3A_113 : memref<!tpu.dma_semaphore, #tpu.memory_space<semaphore_mem>>) src(%arg4 : memref<10000x128xf32, #tpu.memory_space<hbm>>) dst(%arg10 : memref<10000x128xf32, #tpu.memory_space<vmem_shared>>)
        tpu.yield
      }) : () -> ()
    } else {
    }
    %barrier3A = arith.constant 0 : index
    tpu.barrier barrier_id(%barrier3A)
    %mul3A = arith.constant 20000 : i32
    %mul3A_2 = arith.muli %arg1, %mul3A : i32
    %scan3A = arith.constant 0 : i32
    %scan3A_3 = arith.constant 0 : i32
    %scan3A_4 = arith.constant 62 : i32
    %scan3A_5 = arith.addi %scan3A_3, %scan3A_4 : i32
    %scan3A_6 = arith.constant 1 : i32
    scf.for %scan3A_113 = %scan3A_3 to %scan3A_5 step %scan3A_6  : i32 {
      %gt3A = arith.constant 0 : i32
      %gt3A_114 = arith.cmpi sgt, %scan3A_113, %gt3A : i32
      %convert_element_type3A_115 = arith.extui %gt3A_114 : i1 to i32
      %cond3A_116 = arith.constant 0 : i32
      %cond3A_117 = arith.cmpi ne, %convert_element_type3A_115, %cond3A_116 : i32
      scf.if %cond3A_117 {
        %dma_wait3A_191 = arith.constant 0 : i32
        %dma_wait3A_192 = arith.constant 0 : i32
        %dma_wait3A_193 = tpu.memref_slice %arg8[%dma_wait3A_191, %dma_wait3A_192] : memref<160x128xf32, #tpu.memory_space<vmem>> -> memref<80x128xf32, #tpu.memory_space<vmem>>
        %dma_wait3A_194 = arith.constant 0 : i32
        %dma_wait3A_195 = arith.constant 0 : i32
        %dma_wait3A_196 = tpu.memref_slice %arg4[%dma_wait3A_194, %dma_wait3A_195] : memref<10000x128xf32, #tpu.memory_space<hbm>> -> memref<80x128xf32, #tpu.memory_space<hbm>>
        %dma_wait3A_197 = arith.constant 0 : i32
        %dma_wait3A_198 = arith.constant 0 : i32
        %dma_wait3A_199 = tpu.memref_slice %arg8[%dma_wait3A_197, %dma_wait3A_198] : memref<160x128xf32, #tpu.memory_space<vmem>> -> memref<80x128xf32, #tpu.memory_space<vmem>>
        %dma_wait3A_200 = arith.constant 0 : i32
        %dma_wait3A_201 = arith.constant 0 : i32
        %dma_wait3A_202 = tpu.memref_slice %arg4[%dma_wait3A_200, %dma_wait3A_201] : memref<10000x128xf32, #tpu.memory_space<hbm>> -> memref<80x128xf32, #tpu.memory_space<hbm>>
        tpu.wait_dma2 semaphore(%arg12 : memref<!tpu.dma_semaphore, #tpu.memory_space<semaphore_mem>>) src(%dma_wait3A_202 : memref<80x128xf32, #tpu.memory_space<hbm>>) dst(%dma_wait3A_199 : memref<80x128xf32, #tpu.memory_space<vmem>>)
        %dma_wait3A_203 = arith.constant 0 : i32
        %dma_wait3A_204 = arith.constant 0 : i32
        %dma_wait3A_205 = tpu.memref_slice %arg8[%dma_wait3A_203, %dma_wait3A_204] : memref<160x128xf32, #tpu.memory_space<vmem>> -> memref<80x128xf32, #tpu.memory_space<vmem>>
        %dma_wait3A_206 = arith.constant 0 : i32
        %dma_wait3A_207 = arith.constant 0 : i32
        %dma_wait3A_208 = tpu.memref_slice %arg4[%dma_wait3A_206, %dma_wait3A_207] : memref<10000x128xf32, #tpu.memory_space<hbm>> -> memref<80x128xf32, #tpu.memory_space<hbm>>
        %dma_wait3A_209 = arith.constant 0 : i32
        %dma_wait3A_210 = arith.constant 0 : i32
        %dma_wait3A_211 = tpu.memref_slice %arg8[%dma_wait3A_209, %dma_wait3A_210] : memref<160x128xf32, #tpu.memory_space<vmem>> -> memref<80x128xf32, #tpu.memory_space<vmem>>
        %dma_wait3A_212 = arith.constant 0 : i32
        %dma_wait3A_213 = arith.constant 0 : i32
        %dma_wait3A_214 = tpu.memref_slice %arg4[%dma_wait3A_212, %dma_wait3A_213] : memref<10000x128xf32, #tpu.memory_space<hbm>> -> memref<80x128xf32, #tpu.memory_space<hbm>>
        tpu.wait_dma2 semaphore(%arg12 : memref<!tpu.dma_semaphore, #tpu.memory_space<semaphore_mem>>) src(%dma_wait3A_214 : memref<80x128xf32, #tpu.memory_space<hbm>>) dst(%dma_wait3A_211 : memref<80x128xf32, #tpu.memory_space<vmem>>)
      } else {
      }
      %mul3A_118 = arith.constant 2 : i32
      %mul3A_119 = arith.muli %mul3A_118, %scan3A_113 : i32
      "tpu.region"() ({
        %run_scoped3A_191 = tpu.sem_alloc : memref<!tpu.dma_semaphore, #tpu.memory_space<semaphore_mem>>
        %dma_start3A_192 = arith.constant 0 : i32
        %dma_start3A_193 = arith.constant 0 : i32
        %dma_start3A_194 = tpu.memref_slice %arg3[%arg0, %arg1, %mul3A_119, %dma_start3A_192, %dma_start3A_193] : memref<2x16x125x2x80xi32, #tpu.memory_space<hbm>> -> memref<1x1x1x2x80xi32, #tpu.memory_space<hbm>>
        %dma_start3A_195 = tpu.memref_squeeze %dma_start3A_194 : memref<1x1x1x2x80xi32, #tpu.memory_space<hbm>> -> memref<2x80xi32, #tpu.memory_space<hbm>>
        %dma_start3A_196 = arith.constant 0 : i32
        %dma_start3A_197 = arith.constant 0 : i32
        %dma_start3A_198 = tpu.memref_slice %arg3[%arg0, %arg1, %mul3A_119, %dma_start3A_196, %dma_start3A_197] : memref<2x16x125x2x80xi32, #tpu.memory_space<hbm>> -> memref<1x1x1x2x80xi32, #tpu.memory_space<hbm>>
        %dma_start3A_199 = tpu.memref_squeeze %dma_start3A_198 : memref<1x1x1x2x80xi32, #tpu.memory_space<hbm>> -> memref<2x80xi32, #tpu.memory_space<hbm>>
        tpu.enqueue_dma source(%dma_start3A_199 : memref<2x80xi32, #tpu.memory_space<hbm>>) target(%arg6 : memref<2x80xi32, #tpu.memory_space<vmem>>) target_semaphore(%run_scoped3A_191 : memref<!tpu.dma_semaphore, #tpu.memory_space<semaphore_mem>>)
        %dma_wait3A_200 = arith.constant 0 : i32
        %dma_wait3A_201 = arith.constant 0 : i32
        %dma_wait3A_202 = tpu.memref_slice %arg3[%arg0, %arg1, %mul3A_119, %dma_wait3A_200, %dma_wait3A_201] : memref<2x16x125x2x80xi32, #tpu.memory_space<hbm>> -> memref<1x1x1x2x80xi32, #tpu.memory_space<hbm>>
        %dma_wait3A_203 = tpu.memref_squeeze %dma_wait3A_202 : memref<1x1x1x2x80xi32, #tpu.memory_space<hbm>> -> memref<2x80xi32, #tpu.memory_space<hbm>>
        %dma_wait3A_204 = arith.constant 0 : i32
        %dma_wait3A_205 = arith.constant 0 : i32
        %dma_wait3A_206 = tpu.memref_slice %arg3[%arg0, %arg1, %mul3A_119, %dma_wait3A_204, %dma_wait3A_205] : memref<2x16x125x2x80xi32, #tpu.memory_space<hbm>> -> memref<1x1x1x2x80xi32, #tpu.memory_space<hbm>>
        %dma_wait3A_207 = tpu.memref_squeeze %dma_wait3A_206 : memref<1x1x1x2x80xi32, #tpu.memory_space<hbm>> -> memref<2x80xi32, #tpu.memory_space<hbm>>
        tpu.wait_dma2 semaphore(%run_scoped3A_191 : memref<!tpu.dma_semaphore, #tpu.memory_space<semaphore_mem>>) src(%dma_wait3A_207 : memref<2x80xi32, #tpu.memory_space<hbm>>) dst(%arg6 : memref<2x80xi32, #tpu.memory_space<vmem>>)
        tpu.yield
      }) : () -> ()
      %mul3A_120 = arith.constant 160 : i32
      %mul3A_121 = arith.muli %mul3A_119, %mul3A_120 : i32
      %add3A_122 = arith.addi %mul3A_2, %mul3A_121 : i32
      %dma_start3A_123 = arith.constant 0 : i32
      %dma_start3A_124 = tpu.memref_slice %arg2[%add3A_122, %dma_start3A_123] : memref<320000x128xf32, #tpu.memory_space<hbm>> -> memref<160x128xf32, #tpu.memory_space<hbm>>
      %dma_start3A_125 = arith.constant 0 : i32
      %dma_start3A_126 = tpu.memref_slice %arg2[%add3A_122, %dma_start3A_125] : memref<320000x128xf32, #tpu.memory_space<hbm>> -> memref<160x128xf32, #tpu.memory_space<hbm>>
      tpu.enqueue_dma source(%dma_start3A_126 : memref<160x128xf32, #tpu.memory_space<hbm>>) target(%arg8 : memref<160x128xf32, #tpu.memory_space<vmem>>) target_semaphore(%arg11 : memref<!tpu.dma_semaphore, #tpu.memory_space<semaphore_mem>>)
      %dma_wait3A_127 = arith.constant 0 : i32
      %dma_wait3A_128 = tpu.memref_slice %arg2[%add3A_122, %dma_wait3A_127] : memref<320000x128xf32, #tpu.memory_space<hbm>> -> memref<160x128xf32, #tpu.memory_space<hbm>>
      %dma_wait3A_129 = arith.constant 0 : i32
      %dma_wait3A_130 = tpu.memref_slice %arg2[%add3A_122, %dma_wait3A_129] : memref<320000x128xf32, #tpu.memory_space<hbm>> -> memref<160x128xf32, #tpu.memory_space<hbm>>
      tpu.wait_dma2 semaphore(%arg11 : memref<!tpu.dma_semaphore, #tpu.memory_space<semaphore_mem>>) src(%dma_wait3A_130 : memref<160x128xf32, #tpu.memory_space<hbm>>) dst(%arg8 : memref<160x128xf32, #tpu.memory_space<vmem>>)
      %dma_start3A_131 = arith.constant 0 : i32
      %dma_start3A_132 = arith.constant 0 : i32
      %dma_start3A_133 = arith.constant 0 : i32
      %dma_start3A_134 = tpu.memref_slice %arg8[%dma_start3A_132, %dma_start3A_133] : memref<160x128xf32, #tpu.memory_space<vmem>> -> memref<80x128xf32, #tpu.memory_space<vmem>>
      %dma_start3A_135 = arith.constant 0 : i32
      %dma_start3A_136 = tpu.memref_slice %arg6[%dma_start3A_131, %dma_start3A_135] : memref<2x80xi32, #tpu.memory_space<vmem>> -> memref<1x80xi32, #tpu.memory_space<vmem>>
      %dma_start3A_137 = tpu.memref_squeeze %dma_start3A_136 : memref<1x80xi32, #tpu.memory_space<vmem>> -> memref<80xi32, #tpu.memory_space<vmem>>
      %dma_start3A_138 = arith.constant 0 : i32
      %dma_start3A_139 = arith.constant 0 : i32
      %dma_start3A_140 = tpu.memref_slice %arg10[%dma_start3A_138, %dma_start3A_139] : memref<10000x128xf32, #tpu.memory_space<vmem_shared>> -> memref<10000x128xf32, #tpu.memory_space<vmem_shared>>
      tpu.enqueue_indirect_dma source(%dma_start3A_134 : memref<80x128xf32, #tpu.memory_space<vmem>>) target(%dma_start3A_140 : memref<10000x128xf32, #tpu.memory_space<vmem_shared>>) offsets(%dma_start3A_137 : memref<80xi32, #tpu.memory_space<vmem>>) semaphore(%arg12 : memref<!tpu.dma_semaphore, #tpu.memory_space<semaphore_mem>>) {add = true}
      %dma_start3A_141 = arith.constant 1 : i32
      %dma_start3A_142 = arith.constant 80 : i32
      %dma_start3A_143 = arith.constant 0 : i32
      %dma_start3A_144 = tpu.memref_slice %arg8[%dma_start3A_142, %dma_start3A_143] : memref<160x128xf32, #tpu.memory_space<vmem>> -> memref<80x128xf32, #tpu.memory_space<vmem>>
      %dma_start3A_145 = arith.constant 0 : i32
      %dma_start3A_146 = tpu.memref_slice %arg6[%dma_start3A_141, %dma_start3A_145] : memref<2x80xi32, #tpu.memory_space<vmem>> -> memref<1x80xi32, #tpu.memory_space<vmem>>
      %dma_start3A_147 = tpu.memref_squeeze %dma_start3A_146 : memref<1x80xi32, #tpu.memory_space<vmem>> -> memref<80xi32, #tpu.memory_space<vmem>>
      %dma_start3A_148 = arith.constant 0 : i32
      %dma_start3A_149 = arith.constant 0 : i32
      %dma_start3A_150 = tpu.memref_slice %arg10[%dma_start3A_148, %dma_start3A_149] : memref<10000x128xf32, #tpu.memory_space<vmem_shared>> -> memref<10000x128xf32, #tpu.memory_space<vmem_shared>>
      tpu.enqueue_indirect_dma source(%dma_start3A_144 : memref<80x128xf32, #tpu.memory_space<vmem>>) target(%dma_start3A_150 : memref<10000x128xf32, #tpu.memory_space<vmem_shared>>) offsets(%dma_start3A_147 : memref<80xi32, #tpu.memory_space<vmem>>) semaphore(%arg12 : memref<!tpu.dma_semaphore, #tpu.memory_space<semaphore_mem>>) {add = true}
      %gt3A_151 = arith.constant 0 : i32
      %gt3A_152 = arith.cmpi sgt, %scan3A_113, %gt3A_151 : i32
      %convert_element_type3A_153 = arith.extui %gt3A_152 : i1 to i32
      %cond3A_154 = arith.constant 0 : i32
      %cond3A_155 = arith.cmpi ne, %convert_element_type3A_153, %cond3A_154 : i32
      scf.if %cond3A_155 {
        %dma_wait3A_191 = arith.constant 0 : i32
        %dma_wait3A_192 = arith.constant 0 : i32
        %dma_wait3A_193 = tpu.memref_slice %arg8[%dma_wait3A_191, %dma_wait3A_192] : memref<160x128xf32, #tpu.memory_space<vmem>> -> memref<80x128xf32, #tpu.memory_space<vmem>>
        %dma_wait3A_194 = arith.constant 0 : i32
        %dma_wait3A_195 = arith.constant 0 : i32
        %dma_wait3A_196 = tpu.memref_slice %arg4[%dma_wait3A_194, %dma_wait3A_195] : memref<10000x128xf32, #tpu.memory_space<hbm>> -> memref<80x128xf32, #tpu.memory_space<hbm>>
        %dma_wait3A_197 = arith.constant 0 : i32
        %dma_wait3A_198 = arith.constant 0 : i32
        %dma_wait3A_199 = tpu.memref_slice %arg8[%dma_wait3A_197, %dma_wait3A_198] : memref<160x128xf32, #tpu.memory_space<vmem>> -> memref<80x128xf32, #tpu.memory_space<vmem>>
        %dma_wait3A_200 = arith.constant 0 : i32
        %dma_wait3A_201 = arith.constant 0 : i32
        %dma_wait3A_202 = tpu.memref_slice %arg4[%dma_wait3A_200, %dma_wait3A_201] : memref<10000x128xf32, #tpu.memory_space<hbm>> -> memref<80x128xf32, #tpu.memory_space<hbm>>
        tpu.wait_dma2 semaphore(%arg13 : memref<!tpu.dma_semaphore, #tpu.memory_space<semaphore_mem>>) src(%dma_wait3A_202 : memref<80x128xf32, #tpu.memory_space<hbm>>) dst(%dma_wait3A_199 : memref<80x128xf32, #tpu.memory_space<vmem>>)
        %dma_wait3A_203 = arith.constant 0 : i32
        %dma_wait3A_204 = arith.constant 0 : i32
        %dma_wait3A_205 = tpu.memref_slice %arg8[%dma_wait3A_203, %dma_wait3A_204] : memref<160x128xf32, #tpu.memory_space<vmem>> -> memref<80x128xf32, #tpu.memory_space<vmem>>
        %dma_wait3A_206 = arith.constant 0 : i32
        %dma_wait3A_207 = arith.constant 0 : i32
        %dma_wait3A_208 = tpu.memref_slice %arg4[%dma_wait3A_206, %dma_wait3A_207] : memref<10000x128xf32, #tpu.memory_space<hbm>> -> memref<80x128xf32, #tpu.memory_space<hbm>>
        %dma_wait3A_209 = arith.constant 0 : i32
        %dma_wait3A_210 = arith.constant 0 : i32
        %dma_wait3A_211 = tpu.memref_slice %arg8[%dma_wait3A_209, %dma_wait3A_210] : memref<160x128xf32, #tpu.memory_space<vmem>> -> memref<80x128xf32, #tpu.memory_space<vmem>>
        %dma_wait3A_212 = arith.constant 0 : i32
        %dma_wait3A_213 = arith.constant 0 : i32
        %dma_wait3A_214 = tpu.memref_slice %arg4[%dma_wait3A_212, %dma_wait3A_213] : memref<10000x128xf32, #tpu.memory_space<hbm>> -> memref<80x128xf32, #tpu.memory_space<hbm>>
        tpu.wait_dma2 semaphore(%arg13 : memref<!tpu.dma_semaphore, #tpu.memory_space<semaphore_mem>>) src(%dma_wait3A_214 : memref<80x128xf32, #tpu.memory_space<hbm>>) dst(%dma_wait3A_211 : memref<80x128xf32, #tpu.memory_space<vmem>>)
      } else {
      }
      %mul3A_156 = arith.constant 2 : i32
      %mul3A_157 = arith.muli %mul3A_156, %scan3A_113 : i32
      %add3A_158 = arith.constant 1 : i32
      %add3A_159 = arith.addi %mul3A_157, %add3A_158 : i32
      "tpu.region"() ({
        %run_scoped3A_191 = tpu.sem_alloc : memref<!tpu.dma_semaphore, #tpu.memory_space<semaphore_mem>>
        %dma_start3A_192 = arith.constant 0 : i32
        %dma_start3A_193 = arith.constant 0 : i32
        %dma_start3A_194 = tpu.memref_slice %arg3[%arg0, %arg1, %add3A_159, %dma_start3A_192, %dma_start3A_193] : memref<2x16x125x2x80xi32, #tpu.memory_space<hbm>> -> memref<1x1x1x2x80xi32, #tpu.memory_space<hbm>>
        %dma_start3A_195 = tpu.memref_squeeze %dma_start3A_194 : memref<1x1x1x2x80xi32, #tpu.memory_space<hbm>> -> memref<2x80xi32, #tpu.memory_space<hbm>>
        %dma_start3A_196 = arith.constant 0 : i32
        %dma_start3A_197 = arith.constant 0 : i32
        %dma_start3A_198 = tpu.memref_slice %arg3[%arg0, %arg1, %add3A_159, %dma_start3A_196, %dma_start3A_197] : memref<2x16x125x2x80xi32, #tpu.memory_space<hbm>> -> memref<1x1x1x2x80xi32, #tpu.memory_space<hbm>>
        %dma_start3A_199 = tpu.memref_squeeze %dma_start3A_198 : memref<1x1x1x2x80xi32, #tpu.memory_space<hbm>> -> memref<2x80xi32, #tpu.memory_space<hbm>>
        tpu.enqueue_dma source(%dma_start3A_199 : memref<2x80xi32, #tpu.memory_space<hbm>>) target(%arg7 : memref<2x80xi32, #tpu.memory_space<vmem>>) target_semaphore(%run_scoped3A_191 : memref<!tpu.dma_semaphore, #tpu.memory_space<semaphore_mem>>)
        %dma_wait3A_200 = arith.constant 0 : i32
        %dma_wait3A_201 = arith.constant 0 : i32
        %dma_wait3A_202 = tpu.memref_slice %arg3[%arg0, %arg1, %add3A_159, %dma_wait3A_200, %dma_wait3A_201] : memref<2x16x125x2x80xi32, #tpu.memory_space<hbm>> -> memref<1x1x1x2x80xi32, #tpu.memory_space<hbm>>
        %dma_wait3A_203 = tpu.memref_squeeze %dma_wait3A_202 : memref<1x1x1x2x80xi32, #tpu.memory_space<hbm>> -> memref<2x80xi32, #tpu.memory_space<hbm>>
        %dma_wait3A_204 = arith.constant 0 : i32
        %dma_wait3A_205 = arith.constant 0 : i32
        %dma_wait3A_206 = tpu.memref_slice %arg3[%arg0, %arg1, %add3A_159, %dma_wait3A_204, %dma_wait3A_205] : memref<2x16x125x2x80xi32, #tpu.memory_space<hbm>> -> memref<1x1x1x2x80xi32, #tpu.memory_space<hbm>>
        %dma_wait3A_207 = tpu.memref_squeeze %dma_wait3A_206 : memref<1x1x1x2x80xi32, #tpu.memory_space<hbm>> -> memref<2x80xi32, #tpu.memory_space<hbm>>
        tpu.wait_dma2 semaphore(%run_scoped3A_191 : memref<!tpu.dma_semaphore, #tpu.memory_space<semaphore_mem>>) src(%dma_wait3A_207 : memref<2x80xi32, #tpu.memory_space<hbm>>) dst(%arg7 : memref<2x80xi32, #tpu.memory_space<vmem>>)
        tpu.yield
      }) : () -> ()
      %mul3A_160 = arith.constant 160 : i32
      %mul3A_161 = arith.muli %add3A_159, %mul3A_160 : i32
      %add3A_162 = arith.addi %mul3A_2, %mul3A_161 : i32
      %dma_start3A_163 = arith.constant 0 : i32
      %dma_start3A_164 = tpu.memref_slice %arg2[%add3A_162, %dma_start3A_163] : memref<320000x128xf32, #tpu.memory_space<hbm>> -> memref<160x128xf32, #tpu.memory_space<hbm>>
      %dma_start3A_165 = arith.constant 0 : i32
      %dma_start3A_166 = tpu.memref_slice %arg2[%add3A_162, %dma_start3A_165] : memref<320000x128xf32, #tpu.memory_space<hbm>> -> memref<160x128xf32, #tpu.memory_space<hbm>>
      tpu.enqueue_dma source(%dma_start3A_166 : memref<160x128xf32, #tpu.memory_space<hbm>>) target(%arg9 : memref<160x128xf32, #tpu.memory_space<vmem>>) target_semaphore(%arg11 : memref<!tpu.dma_semaphore, #tpu.memory_space<semaphore_mem>>)
      %dma_wait3A_167 = arith.constant 0 : i32
      %dma_wait3A_168 = tpu.memref_slice %arg2[%add3A_162, %dma_wait3A_167] : memref<320000x128xf32, #tpu.memory_space<hbm>> -> memref<160x128xf32, #tpu.memory_space<hbm>>
      %dma_wait3A_169 = arith.constant 0 : i32
      %dma_wait3A_170 = tpu.memref_slice %arg2[%add3A_162, %dma_wait3A_169] : memref<320000x128xf32, #tpu.memory_space<hbm>> -> memref<160x128xf32, #tpu.memory_space<hbm>>
      tpu.wait_dma2 semaphore(%arg11 : memref<!tpu.dma_semaphore, #tpu.memory_space<semaphore_mem>>) src(%dma_wait3A_170 : memref<160x128xf32, #tpu.memory_space<hbm>>) dst(%arg9 : memref<160x128xf32, #tpu.memory_space<vmem>>)
      %dma_start3A_171 = arith.constant 0 : i32
      %dma_start3A_172 = arith.constant 0 : i32
      %dma_start3A_173 = arith.constant 0 : i32
      %dma_start3A_174 = tpu.memref_slice %arg9[%dma_start3A_172, %dma_start3A_173] : memref<160x128xf32, #tpu.memory_space<vmem>> -> memref<80x128xf32, #tpu.memory_space<vmem>>
      %dma_start3A_175 = arith.constant 0 : i32
      %dma_start3A_176 = tpu.memref_slice %arg7[%dma_start3A_171, %dma_start3A_175] : memref<2x80xi32, #tpu.memory_space<vmem>> -> memref<1x80xi32, #tpu.memory_space<vmem>>
      %dma_start3A_177 = tpu.memref_squeeze %dma_start3A_176 : memref<1x80xi32, #tpu.memory_space<vmem>> -> memref<80xi32, #tpu.memory_space<vmem>>
      %dma_start3A_178 = arith.constant 0 : i32
      %dma_start3A_179 = arith.constant 0 : i32
      %dma_start3A_180 = tpu.memref_slice %arg10[%dma_start3A_178, %dma_start3A_179] : memref<10000x128xf32, #tpu.memory_space<vmem_shared>> -> memref<10000x128xf32, #tpu.memory_space<vmem_shared>>
      tpu.enqueue_indirect_dma source(%dma_start3A_174 : memref<80x128xf32, #tpu.memory_space<vmem>>) target(%dma_start3A_180 : memref<10000x128xf32, #tpu.memory_space<vmem_shared>>) offsets(%dma_start3A_177 : memref<80xi32, #tpu.memory_space<vmem>>) semaphore(%arg13 : memref<!tpu.dma_semaphore, #tpu.memory_space<semaphore_mem>>) {add = true}
      %dma_start3A_181 = arith.constant 1 : i32
      %dma_start3A_182 = arith.constant 80 : i32
      %dma_start3A_183 = arith.constant 0 : i32
      %dma_start3A_184 = tpu.memref_slice %arg9[%dma_start3A_182, %dma_start3A_183] : memref<160x128xf32, #tpu.memory_space<vmem>> -> memref<80x128xf32, #tpu.memory_space<vmem>>
      %dma_start3A_185 = arith.constant 0 : i32
      %dma_start3A_186 = tpu.memref_slice %arg7[%dma_start3A_181, %dma_start3A_185] : memref<2x80xi32, #tpu.memory_space<vmem>> -> memref<1x80xi32, #tpu.memory_space<vmem>>
      %dma_start3A_187 = tpu.memref_squeeze %dma_start3A_186 : memref<1x80xi32, #tpu.memory_space<vmem>> -> memref<80xi32, #tpu.memory_space<vmem>>
      %dma_start3A_188 = arith.constant 0 : i32
      %dma_start3A_189 = arith.constant 0 : i32
      %dma_start3A_190 = tpu.memref_slice %arg10[%dma_start3A_188, %dma_start3A_189] : memref<10000x128xf32, #tpu.memory_space<vmem_shared>> -> memref<10000x128xf32, #tpu.memory_space<vmem_shared>>
      tpu.enqueue_indirect_dma source(%dma_start3A_184 : memref<80x128xf32, #tpu.memory_space<vmem>>) target(%dma_start3A_190 : memref<10000x128xf32, #tpu.memory_space<vmem_shared>>) offsets(%dma_start3A_187 : memref<80xi32, #tpu.memory_space<vmem>>) semaphore(%arg13 : memref<!tpu.dma_semaphore, #tpu.memory_space<semaphore_mem>>) {add = true}
    }
    %scan3A_7 = arith.constant 62 : i32
    %dma_wait3A = arith.constant 0 : i32
    %dma_wait3A_8 = arith.constant 0 : i32
    %dma_wait3A_9 = tpu.memref_slice %arg8[%dma_wait3A, %dma_wait3A_8] : memref<160x128xf32, #tpu.memory_space<vmem>> -> memref<80x128xf32, #tpu.memory_space<vmem>>
    %dma_wait3A_10 = arith.constant 0 : i32
    %dma_wait3A_11 = arith.constant 0 : i32
    %dma_wait3A_12 = tpu.memref_slice %arg4[%dma_wait3A_10, %dma_wait3A_11] : memref<10000x128xf32, #tpu.memory_space<hbm>> -> memref<80x128xf32, #tpu.memory_space<hbm>>
    %dma_wait3A_13 = arith.constant 0 : i32
    %dma_wait3A_14 = arith.constant 0 : i32
    %dma_wait3A_15 = tpu.memref_slice %arg8[%dma_wait3A_13, %dma_wait3A_14] : memref<160x128xf32, #tpu.memory_space<vmem>> -> memref<80x128xf32, #tpu.memory_space<vmem>>
    %dma_wait3A_16 = arith.constant 0 : i32
    %dma_wait3A_17 = arith.constant 0 : i32
    %dma_wait3A_18 = tpu.memref_slice %arg4[%dma_wait3A_16, %dma_wait3A_17] : memref<10000x128xf32, #tpu.memory_space<hbm>> -> memref<80x128xf32, #tpu.memory_space<hbm>>
    tpu.wait_dma2 semaphore(%arg12 : memref<!tpu.dma_semaphore, #tpu.memory_space<semaphore_mem>>) src(%dma_wait3A_18 : memref<80x128xf32, #tpu.memory_space<hbm>>) dst(%dma_wait3A_15 : memref<80x128xf32, #tpu.memory_space<vmem>>)
    %dma_wait3A_19 = arith.constant 0 : i32
    %dma_wait3A_20 = arith.constant 0 : i32
    %dma_wait3A_21 = tpu.memref_slice %arg8[%dma_wait3A_19, %dma_wait3A_20] : memref<160x128xf32, #tpu.memory_space<vmem>> -> memref<80x128xf32, #tpu.memory_space<vmem>>
    %dma_wait3A_22 = arith.constant 0 : i32
    %dma_wait3A_23 = arith.constant 0 : i32
    %dma_wait3A_24 = tpu.memref_slice %arg4[%dma_wait3A_22, %dma_wait3A_23] : memref<10000x128xf32, #tpu.memory_space<hbm>> -> memref<80x128xf32, #tpu.memory_space<hbm>>
    %dma_wait3A_25 = arith.constant 0 : i32
    %dma_wait3A_26 = arith.constant 0 : i32
    %dma_wait3A_27 = tpu.memref_slice %arg8[%dma_wait3A_25, %dma_wait3A_26] : memref<160x128xf32, #tpu.memory_space<vmem>> -> memref<80x128xf32, #tpu.memory_space<vmem>>
    %dma_wait3A_28 = arith.constant 0 : i32
    %dma_wait3A_29 = arith.constant 0 : i32
    %dma_wait3A_30 = tpu.memref_slice %arg4[%dma_wait3A_28, %dma_wait3A_29] : memref<10000x128xf32, #tpu.memory_space<hbm>> -> memref<80x128xf32, #tpu.memory_space<hbm>>
    tpu.wait_dma2 semaphore(%arg12 : memref<!tpu.dma_semaphore, #tpu.memory_space<semaphore_mem>>) src(%dma_wait3A_30 : memref<80x128xf32, #tpu.memory_space<hbm>>) dst(%dma_wait3A_27 : memref<80x128xf32, #tpu.memory_space<vmem>>)
    %run_scoped3A = arith.constant 124 : i32
    "tpu.region"() ({
      %run_scoped3A_113 = tpu.sem_alloc : memref<!tpu.dma_semaphore, #tpu.memory_space<semaphore_mem>>
      %dma_start3A_114 = arith.constant 0 : i32
      %dma_start3A_115 = arith.constant 0 : i32
      %dma_start3A_116 = tpu.memref_slice %arg3[%arg0, %arg1, %run_scoped3A, %dma_start3A_114, %dma_start3A_115] : memref<2x16x125x2x80xi32, #tpu.memory_space<hbm>> -> memref<1x1x1x2x80xi32, #tpu.memory_space<hbm>>
      %dma_start3A_117 = tpu.memref_squeeze %dma_start3A_116 : memref<1x1x1x2x80xi32, #tpu.memory_space<hbm>> -> memref<2x80xi32, #tpu.memory_space<hbm>>
      %dma_start3A_118 = arith.constant 0 : i32
      %dma_start3A_119 = arith.constant 0 : i32
      %dma_start3A_120 = tpu.memref_slice %arg3[%arg0, %arg1, %run_scoped3A, %dma_start3A_118, %dma_start3A_119] : memref<2x16x125x2x80xi32, #tpu.memory_space<hbm>> -> memref<1x1x1x2x80xi32, #tpu.memory_space<hbm>>
      %dma_start3A_121 = tpu.memref_squeeze %dma_start3A_120 : memref<1x1x1x2x80xi32, #tpu.memory_space<hbm>> -> memref<2x80xi32, #tpu.memory_space<hbm>>
      tpu.enqueue_dma source(%dma_start3A_121 : memref<2x80xi32, #tpu.memory_space<hbm>>) target(%arg6 : memref<2x80xi32, #tpu.memory_space<vmem>>) target_semaphore(%run_scoped3A_113 : memref<!tpu.dma_semaphore, #tpu.memory_space<semaphore_mem>>)
      %dma_wait3A_122 = arith.constant 0 : i32
      %dma_wait3A_123 = arith.constant 0 : i32
      %dma_wait3A_124 = tpu.memref_slice %arg3[%arg0, %arg1, %run_scoped3A, %dma_wait3A_122, %dma_wait3A_123] : memref<2x16x125x2x80xi32, #tpu.memory_space<hbm>> -> memref<1x1x1x2x80xi32, #tpu.memory_space<hbm>>
      %dma_wait3A_125 = tpu.memref_squeeze %dma_wait3A_124 : memref<1x1x1x2x80xi32, #tpu.memory_space<hbm>> -> memref<2x80xi32, #tpu.memory_space<hbm>>
      %dma_wait3A_126 = arith.constant 0 : i32
      %dma_wait3A_127 = arith.constant 0 : i32
      %dma_wait3A_128 = tpu.memref_slice %arg3[%arg0, %arg1, %run_scoped3A, %dma_wait3A_126, %dma_wait3A_127] : memref<2x16x125x2x80xi32, #tpu.memory_space<hbm>> -> memref<1x1x1x2x80xi32, #tpu.memory_space<hbm>>
      %dma_wait3A_129 = tpu.memref_squeeze %dma_wait3A_128 : memref<1x1x1x2x80xi32, #tpu.memory_space<hbm>> -> memref<2x80xi32, #tpu.memory_space<hbm>>
      tpu.wait_dma2 semaphore(%run_scoped3A_113 : memref<!tpu.dma_semaphore, #tpu.memory_space<semaphore_mem>>) src(%dma_wait3A_129 : memref<2x80xi32, #tpu.memory_space<hbm>>) dst(%arg6 : memref<2x80xi32, #tpu.memory_space<vmem>>)
      tpu.yield
    }) : () -> ()
    %add3A = arith.constant 19840 : i32
    %add3A_31 = arith.addi %mul3A_2, %add3A : i32
    %dma_start3A = arith.constant 0 : i32
    %dma_start3A_32 = tpu.memref_slice %arg2[%add3A_31, %dma_start3A] : memref<320000x128xf32, #tpu.memory_space<hbm>> -> memref<160x128xf32, #tpu.memory_space<hbm>>
    %dma_start3A_33 = arith.constant 0 : i32
    %dma_start3A_34 = tpu.memref_slice %arg2[%add3A_31, %dma_start3A_33] : memref<320000x128xf32, #tpu.memory_space<hbm>> -> memref<160x128xf32, #tpu.memory_space<hbm>>
    tpu.enqueue_dma source(%dma_start3A_34 : memref<160x128xf32, #tpu.memory_space<hbm>>) target(%arg8 : memref<160x128xf32, #tpu.memory_space<vmem>>) target_semaphore(%arg11 : memref<!tpu.dma_semaphore, #tpu.memory_space<semaphore_mem>>)
    %dma_wait3A_35 = arith.constant 0 : i32
    %dma_wait3A_36 = tpu.memref_slice %arg2[%add3A_31, %dma_wait3A_35] : memref<320000x128xf32, #tpu.memory_space<hbm>> -> memref<160x128xf32, #tpu.memory_space<hbm>>
    %dma_wait3A_37 = arith.constant 0 : i32
    %dma_wait3A_38 = tpu.memref_slice %arg2[%add3A_31, %dma_wait3A_37] : memref<320000x128xf32, #tpu.memory_space<hbm>> -> memref<160x128xf32, #tpu.memory_space<hbm>>
    tpu.wait_dma2 semaphore(%arg11 : memref<!tpu.dma_semaphore, #tpu.memory_space<semaphore_mem>>) src(%dma_wait3A_38 : memref<160x128xf32, #tpu.memory_space<hbm>>) dst(%arg8 : memref<160x128xf32, #tpu.memory_space<vmem>>)
    %dma_start3A_39 = arith.constant 0 : i32
    %dma_start3A_40 = arith.constant 0 : i32
    %dma_start3A_41 = arith.constant 0 : i32
    %dma_start3A_42 = tpu.memref_slice %arg8[%dma_start3A_40, %dma_start3A_41] : memref<160x128xf32, #tpu.memory_space<vmem>> -> memref<80x128xf32, #tpu.memory_space<vmem>>
    %dma_start3A_43 = arith.constant 0 : i32
    %dma_start3A_44 = tpu.memref_slice %arg6[%dma_start3A_39, %dma_start3A_43] : memref<2x80xi32, #tpu.memory_space<vmem>> -> memref<1x80xi32, #tpu.memory_space<vmem>>
    %dma_start3A_45 = tpu.memref_squeeze %dma_start3A_44 : memref<1x80xi32, #tpu.memory_space<vmem>> -> memref<80xi32, #tpu.memory_space<vmem>>
    %dma_start3A_46 = arith.constant 0 : i32
    %dma_start3A_47 = arith.constant 0 : i32
    %dma_start3A_48 = tpu.memref_slice %arg10[%dma_start3A_46, %dma_start3A_47] : memref<10000x128xf32, #tpu.memory_space<vmem_shared>> -> memref<10000x128xf32, #tpu.memory_space<vmem_shared>>
    tpu.enqueue_indirect_dma source(%dma_start3A_42 : memref<80x128xf32, #tpu.memory_space<vmem>>) target(%dma_start3A_48 : memref<10000x128xf32, #tpu.memory_space<vmem_shared>>) offsets(%dma_start3A_45 : memref<80xi32, #tpu.memory_space<vmem>>) semaphore(%arg12 : memref<!tpu.dma_semaphore, #tpu.memory_space<semaphore_mem>>) {add = true}
    %dma_start3A_49 = arith.constant 1 : i32
    %dma_start3A_50 = arith.constant 80 : i32
    %dma_start3A_51 = arith.constant 0 : i32
    %dma_start3A_52 = tpu.memref_slice %arg8[%dma_start3A_50, %dma_start3A_51] : memref<160x128xf32, #tpu.memory_space<vmem>> -> memref<80x128xf32, #tpu.memory_space<vmem>>
    %dma_start3A_53 = arith.constant 0 : i32
    %dma_start3A_54 = tpu.memref_slice %arg6[%dma_start3A_49, %dma_start3A_53] : memref<2x80xi32, #tpu.memory_space<vmem>> -> memref<1x80xi32, #tpu.memory_space<vmem>>
    %dma_start3A_55 = tpu.memref_squeeze %dma_start3A_54 : memref<1x80xi32, #tpu.memory_space<vmem>> -> memref<80xi32, #tpu.memory_space<vmem>>
    %dma_start3A_56 = arith.constant 0 : i32
    %dma_start3A_57 = arith.constant 0 : i32
    %dma_start3A_58 = tpu.memref_slice %arg10[%dma_start3A_56, %dma_start3A_57] : memref<10000x128xf32, #tpu.memory_space<vmem_shared>> -> memref<10000x128xf32, #tpu.memory_space<vmem_shared>>
    tpu.enqueue_indirect_dma source(%dma_start3A_52 : memref<80x128xf32, #tpu.memory_space<vmem>>) target(%dma_start3A_58 : memref<10000x128xf32, #tpu.memory_space<vmem_shared>>) offsets(%dma_start3A_55 : memref<80xi32, #tpu.memory_space<vmem>>) semaphore(%arg12 : memref<!tpu.dma_semaphore, #tpu.memory_space<semaphore_mem>>) {add = true}
    %dma_wait3A_59 = arith.constant 0 : i32
    %dma_wait3A_60 = arith.constant 0 : i32
    %dma_wait3A_61 = tpu.memref_slice %arg8[%dma_wait3A_59, %dma_wait3A_60] : memref<160x128xf32, #tpu.memory_space<vmem>> -> memref<80x128xf32, #tpu.memory_space<vmem>>
    %dma_wait3A_62 = arith.constant 0 : i32
    %dma_wait3A_63 = arith.constant 0 : i32
    %dma_wait3A_64 = tpu.memref_slice %arg4[%dma_wait3A_62, %dma_wait3A_63] : memref<10000x128xf32, #tpu.memory_space<hbm>> -> memref<80x128xf32, #tpu.memory_space<hbm>>
    %dma_wait3A_65 = arith.constant 0 : i32
    %dma_wait3A_66 = arith.constant 0 : i32
    %dma_wait3A_67 = tpu.memref_slice %arg8[%dma_wait3A_65, %dma_wait3A_66] : memref<160x128xf32, #tpu.memory_space<vmem>> -> memref<80x128xf32, #tpu.memory_space<vmem>>
    %dma_wait3A_68 = arith.constant 0 : i32
    %dma_wait3A_69 = arith.constant 0 : i32
    %dma_wait3A_70 = tpu.memref_slice %arg4[%dma_wait3A_68, %dma_wait3A_69] : memref<10000x128xf32, #tpu.memory_space<hbm>> -> memref<80x128xf32, #tpu.memory_space<hbm>>
    tpu.wait_dma2 semaphore(%arg12 : memref<!tpu.dma_semaphore, #tpu.memory_space<semaphore_mem>>) src(%dma_wait3A_70 : memref<80x128xf32, #tpu.memory_space<hbm>>) dst(%dma_wait3A_67 : memref<80x128xf32, #tpu.memory_space<vmem>>)
    %dma_wait3A_71 = arith.constant 0 : i32
    %dma_wait3A_72 = arith.constant 0 : i32
    %dma_wait3A_73 = tpu.memref_slice %arg8[%dma_wait3A_71, %dma_wait3A_72] : memref<160x128xf32, #tpu.memory_space<vmem>> -> memref<80x128xf32, #tpu.memory_space<vmem>>
    %dma_wait3A_74 = arith.constant 0 : i32
    %dma_wait3A_75 = arith.constant 0 : i32
    %dma_wait3A_76 = tpu.memref_slice %arg4[%dma_wait3A_74, %dma_wait3A_75] : memref<10000x128xf32, #tpu.memory_space<hbm>> -> memref<80x128xf32, #tpu.memory_space<hbm>>
    %dma_wait3A_77 = arith.constant 0 : i32
    %dma_wait3A_78 = arith.constant 0 : i32
    %dma_wait3A_79 = tpu.memref_slice %arg8[%dma_wait3A_77, %dma_wait3A_78] : memref<160x128xf32, #tpu.memory_space<vmem>> -> memref<80x128xf32, #tpu.memory_space<vmem>>
    %dma_wait3A_80 = arith.constant 0 : i32
    %dma_wait3A_81 = arith.constant 0 : i32
    %dma_wait3A_82 = tpu.memref_slice %arg4[%dma_wait3A_80, %dma_wait3A_81] : memref<10000x128xf32, #tpu.memory_space<hbm>> -> memref<80x128xf32, #tpu.memory_space<hbm>>
    tpu.wait_dma2 semaphore(%arg12 : memref<!tpu.dma_semaphore, #tpu.memory_space<semaphore_mem>>) src(%dma_wait3A_82 : memref<80x128xf32, #tpu.memory_space<hbm>>) dst(%dma_wait3A_79 : memref<80x128xf32, #tpu.memory_space<vmem>>)
    %dma_wait3A_83 = arith.constant 0 : i32
    %dma_wait3A_84 = arith.constant 0 : i32
    %dma_wait3A_85 = tpu.memref_slice %arg8[%dma_wait3A_83, %dma_wait3A_84] : memref<160x128xf32, #tpu.memory_space<vmem>> -> memref<80x128xf32, #tpu.memory_space<vmem>>
    %dma_wait3A_86 = arith.constant 0 : i32
    %dma_wait3A_87 = arith.constant 0 : i32
    %dma_wait3A_88 = tpu.memref_slice %arg4[%dma_wait3A_86, %dma_wait3A_87] : memref<10000x128xf32, #tpu.memory_space<hbm>> -> memref<80x128xf32, #tpu.memory_space<hbm>>
    %dma_wait3A_89 = arith.constant 0 : i32
    %dma_wait3A_90 = arith.constant 0 : i32
    %dma_wait3A_91 = tpu.memref_slice %arg8[%dma_wait3A_89, %dma_wait3A_90] : memref<160x128xf32, #tpu.memory_space<vmem>> -> memref<80x128xf32, #tpu.memory_space<vmem>>
    %dma_wait3A_92 = arith.constant 0 : i32
    %dma_wait3A_93 = arith.constant 0 : i32
    %dma_wait3A_94 = tpu.memref_slice %arg4[%dma_wait3A_92, %dma_wait3A_93] : memref<10000x128xf32, #tpu.memory_space<hbm>> -> memref<80x128xf32, #tpu.memory_space<hbm>>
    tpu.wait_dma2 semaphore(%arg13 : memref<!tpu.dma_semaphore, #tpu.memory_space<semaphore_mem>>) src(%dma_wait3A_94 : memref<80x128xf32, #tpu.memory_space<hbm>>) dst(%dma_wait3A_91 : memref<80x128xf32, #tpu.memory_space<vmem>>)
    %dma_wait3A_95 = arith.constant 0 : i32
    %dma_wait3A_96 = arith.constant 0 : i32
    %dma_wait3A_97 = tpu.memref_slice %arg8[%dma_wait3A_95, %dma_wait3A_96] : memref<160x128xf32, #tpu.memory_space<vmem>> -> memref<80x128xf32, #tpu.memory_space<vmem>>
    %dma_wait3A_98 = arith.constant 0 : i32
    %dma_wait3A_99 = arith.constant 0 : i32
    %dma_wait3A_100 = tpu.memref_slice %arg4[%dma_wait3A_98, %dma_wait3A_99] : memref<10000x128xf32, #tpu.memory_space<hbm>> -> memref<80x128xf32, #tpu.memory_space<hbm>>
    %dma_wait3A_101 = arith.constant 0 : i32
    %dma_wait3A_102 = arith.constant 0 : i32
    %dma_wait3A_103 = tpu.memref_slice %arg8[%dma_wait3A_101, %dma_wait3A_102] : memref<160x128xf32, #tpu.memory_space<vmem>> -> memref<80x128xf32, #tpu.memory_space<vmem>>
    %dma_wait3A_104 = arith.constant 0 : i32
    %dma_wait3A_105 = arith.constant 0 : i32
    %dma_wait3A_106 = tpu.memref_slice %arg4[%dma_wait3A_104, %dma_wait3A_105] : memref<10000x128xf32, #tpu.memory_space<hbm>> -> memref<80x128xf32, #tpu.memory_space<hbm>>
    tpu.wait_dma2 semaphore(%arg13 : memref<!tpu.dma_semaphore, #tpu.memory_space<semaphore_mem>>) src(%dma_wait3A_106 : memref<80x128xf32, #tpu.memory_space<hbm>>) dst(%dma_wait3A_103 : memref<80x128xf32, #tpu.memory_space<vmem>>)
    %barrier3A_107 = arith.constant 0 : index
    tpu.barrier barrier_id(%barrier3A_107)
    %eq3A_108 = arith.constant 0 : i32
    %eq3A_109 = arith.cmpi eq, %arg1, %eq3A_108 : i32
    %convert_element_type3A_110 = arith.extui %eq3A_109 : i1 to i32
    %cond3A_111 = arith.constant 0 : i32
    %cond3A_112 = arith.cmpi ne, %convert_element_type3A_110, %cond3A_111 : i32
    scf.if %cond3A_112 {
      "tpu.region"() ({
        %run_scoped3A_113 = tpu.sem_alloc : memref<!tpu.dma_semaphore, #tpu.memory_space<semaphore_mem>>
        %dma_start3A_114 = arith.constant 0 : i32
        %dma_start3A_115 = arith.constant 0 : i32
        %dma_start3A_116 = tpu.memref_slice %arg5[%arg0, %dma_start3A_114, %dma_start3A_115] : memref<2x10000x128xf32, #tpu.memory_space<hbm>> -> memref<1x10000x128xf32, #tpu.memory_space<hbm>>
        %dma_start3A_117 = tpu.memref_squeeze %dma_start3A_116 : memref<1x10000x128xf32, #tpu.memory_space<hbm>> -> memref<10000x128xf32, #tpu.memory_space<hbm>>
        tpu.enqueue_dma source(%arg10 : memref<10000x128xf32, #tpu.memory_space<vmem_shared>>) target(%dma_start3A_117 : memref<10000x128xf32, #tpu.memory_space<hbm>>) target_semaphore(%run_scoped3A_113 : memref<!tpu.dma_semaphore, #tpu.memory_space<semaphore_mem>>)
        %dma_wait3A_118 = arith.constant 0 : i32
        %dma_wait3A_119 = arith.constant 0 : i32
        %dma_wait3A_120 = tpu.memref_slice %arg5[%arg0, %dma_wait3A_118, %dma_wait3A_119] : memref<2x10000x128xf32, #tpu.memory_space<hbm>> -> memref<1x10000x128xf32, #tpu.memory_space<hbm>>
        %dma_wait3A_121 = tpu.memref_squeeze %dma_wait3A_120 : memref<1x10000x128xf32, #tpu.memory_space<hbm>> -> memref<10000x128xf32, #tpu.memory_space<hbm>>
        tpu.wait_dma2 semaphore(%run_scoped3A_113 : memref<!tpu.dma_semaphore, #tpu.memory_space<semaphore_mem>>) src(%arg10 : memref<10000x128xf32, #tpu.memory_space<vmem_shared>>) dst(%dma_wait3A_121 : memref<10000x128xf32, #tpu.memory_space<hbm>>)
        tpu.yield
      }) : () -> ()
    } else {
    }
    return
  }
}

#map = affine_map<(d0, d1) -> (0, 0)>
#map1 = affine_map<(d0, d1) -> (0, 0, 0, 0, 0)>
#map2 = affine_map<(d0, d1) -> (0, 0, 0)>
module attributes {stable_mosaic.version = 14 : i64} {
  func.func @_sc_gather_body(%arg0: i32, %arg1: i32, %arg2: memref<10000x128xf32, #tpu.memory_space<hbm>>, %arg3: memref<2x16x25x10x80xi32, #tpu.memory_space<hbm>>, %arg4: memref<2x320000x128xf32, #tpu.memory_space<hbm>>, %arg5: memref<10x80xi32, #tpu.memory_space<vmem>>, %arg6: memref<800x128xf32, #tpu.memory_space<vmem>>, %arg7: memref<!tpu.dma_semaphore, #tpu.memory_space<semaphore_mem>>, %arg8: memref<!tpu.dma_semaphore, #tpu.memory_space<semaphore_mem>>) attributes {dimension_semantics = [#tpu.dimension_semantics<core_parallel>, #tpu.dimension_semantics<subcore_parallel>], iteration_bounds = array<i64: 2, 16>, scalar_prefetch = 0 : i64, scratch_operands = 4 : i64, tpu.core_type = #tpu.core_type<sc_vector_subcore>, window_params = [{transform_indices = #map}, {transform_indices = #map1}, {transform_indices = #map2}]} {
    %mul3A = arith.constant 20000 : i32
    %mul3A_0 = arith.muli %arg1, %mul3A : i32
    %scan3A = arith.constant 0 : i32
    %scan3A_1 = arith.constant 0 : i32
    %scan3A_2 = arith.constant 25 : i32
    %scan3A_3 = arith.addi %scan3A_1, %scan3A_2 : i32
    %scan3A_4 = arith.constant 1 : i32
    scf.for %scan3A_13 = %scan3A_1 to %scan3A_3 step %scan3A_4  : i32 {
      %gt3A = arith.constant 0 : i32
      %gt3A_14 = arith.cmpi sgt, %scan3A_13, %gt3A : i32
      %convert_element_type3A = arith.extui %gt3A_14 : i1 to i32
      %cond3A = arith.constant 0 : i32
      %cond3A_15 = arith.cmpi ne, %convert_element_type3A, %cond3A : i32
      scf.if %cond3A_15 {
        %dma_wait3A_223 = arith.constant 0 : i32
        %dma_wait3A_224 = arith.constant 0 : i32
        %dma_wait3A_225 = tpu.memref_slice %arg4[%arg0, %dma_wait3A_223, %dma_wait3A_224] : memref<2x320000x128xf32, #tpu.memory_space<hbm>> -> memref<1x800x128xf32, #tpu.memory_space<hbm>>
        %dma_wait3A_226 = tpu.memref_squeeze %dma_wait3A_225 : memref<1x800x128xf32, #tpu.memory_space<hbm>> -> memref<800x128xf32, #tpu.memory_space<hbm>>
        %dma_wait3A_227 = arith.constant 0 : i32
        %dma_wait3A_228 = arith.constant 0 : i32
        %dma_wait3A_229 = tpu.memref_slice %arg4[%arg0, %dma_wait3A_227, %dma_wait3A_228] : memref<2x320000x128xf32, #tpu.memory_space<hbm>> -> memref<1x800x128xf32, #tpu.memory_space<hbm>>
        %dma_wait3A_230 = tpu.memref_squeeze %dma_wait3A_229 : memref<1x800x128xf32, #tpu.memory_space<hbm>> -> memref<800x128xf32, #tpu.memory_space<hbm>>
        tpu.wait_dma2 semaphore(%arg8 : memref<!tpu.dma_semaphore, #tpu.memory_space<semaphore_mem>>) src(%arg6 : memref<800x128xf32, #tpu.memory_space<vmem>>) dst(%dma_wait3A_230 : memref<800x128xf32, #tpu.memory_space<hbm>>)
      } else {
      }
      "tpu.region"() ({
        %run_scoped3A = tpu.sem_alloc : memref<!tpu.dma_semaphore, #tpu.memory_space<semaphore_mem>>
        %dma_start3A_223 = arith.constant 0 : i32
        %dma_start3A_224 = arith.constant 0 : i32
        %dma_start3A_225 = tpu.memref_slice %arg3[%arg0, %arg1, %scan3A_13, %dma_start3A_223, %dma_start3A_224] : memref<2x16x25x10x80xi32, #tpu.memory_space<hbm>> -> memref<1x1x1x10x80xi32, #tpu.memory_space<hbm>>
        %dma_start3A_226 = tpu.memref_squeeze %dma_start3A_225 : memref<1x1x1x10x80xi32, #tpu.memory_space<hbm>> -> memref<10x80xi32, #tpu.memory_space<hbm>>
        %dma_start3A_227 = arith.constant 0 : i32
        %dma_start3A_228 = arith.constant 0 : i32
        %dma_start3A_229 = tpu.memref_slice %arg3[%arg0, %arg1, %scan3A_13, %dma_start3A_227, %dma_start3A_228] : memref<2x16x25x10x80xi32, #tpu.memory_space<hbm>> -> memref<1x1x1x10x80xi32, #tpu.memory_space<hbm>>
        %dma_start3A_230 = tpu.memref_squeeze %dma_start3A_229 : memref<1x1x1x10x80xi32, #tpu.memory_space<hbm>> -> memref<10x80xi32, #tpu.memory_space<hbm>>
        tpu.enqueue_dma source(%dma_start3A_230 : memref<10x80xi32, #tpu.memory_space<hbm>>) target(%arg5 : memref<10x80xi32, #tpu.memory_space<vmem>>) target_semaphore(%run_scoped3A : memref<!tpu.dma_semaphore, #tpu.memory_space<semaphore_mem>>)
        %dma_wait3A_231 = arith.constant 0 : i32
        %dma_wait3A_232 = arith.constant 0 : i32
        %dma_wait3A_233 = tpu.memref_slice %arg3[%arg0, %arg1, %scan3A_13, %dma_wait3A_231, %dma_wait3A_232] : memref<2x16x25x10x80xi32, #tpu.memory_space<hbm>> -> memref<1x1x1x10x80xi32, #tpu.memory_space<hbm>>
        %dma_wait3A_234 = tpu.memref_squeeze %dma_wait3A_233 : memref<1x1x1x10x80xi32, #tpu.memory_space<hbm>> -> memref<10x80xi32, #tpu.memory_space<hbm>>
        %dma_wait3A_235 = arith.constant 0 : i32
        %dma_wait3A_236 = arith.constant 0 : i32
        %dma_wait3A_237 = tpu.memref_slice %arg3[%arg0, %arg1, %scan3A_13, %dma_wait3A_235, %dma_wait3A_236] : memref<2x16x25x10x80xi32, #tpu.memory_space<hbm>> -> memref<1x1x1x10x80xi32, #tpu.memory_space<hbm>>
        %dma_wait3A_238 = tpu.memref_squeeze %dma_wait3A_237 : memref<1x1x1x10x80xi32, #tpu.memory_space<hbm>> -> memref<10x80xi32, #tpu.memory_space<hbm>>
        tpu.wait_dma2 semaphore(%run_scoped3A : memref<!tpu.dma_semaphore, #tpu.memory_space<semaphore_mem>>) src(%dma_wait3A_238 : memref<10x80xi32, #tpu.memory_space<hbm>>) dst(%arg5 : memref<10x80xi32, #tpu.memory_space<vmem>>)
        tpu.yield
      }) : () -> ()
      %dma_start3A = arith.constant 0 : i32
      %dma_start3A_16 = arith.constant 0 : i32
      %dma_start3A_17 = arith.constant 0 : i32
      %dma_start3A_18 = tpu.memref_slice %arg6[%dma_start3A_16, %dma_start3A_17] : memref<800x128xf32, #tpu.memory_space<vmem>> -> memref<80x128xf32, #tpu.memory_space<vmem>>
      %dma_start3A_19 = arith.constant 0 : i32
      %dma_start3A_20 = tpu.memref_slice %arg5[%dma_start3A, %dma_start3A_19] : memref<10x80xi32, #tpu.memory_space<vmem>> -> memref<1x80xi32, #tpu.memory_space<vmem>>
      %dma_start3A_21 = tpu.memref_squeeze %dma_start3A_20 : memref<1x80xi32, #tpu.memory_space<vmem>> -> memref<80xi32, #tpu.memory_space<vmem>>
      %dma_start3A_22 = arith.constant 0 : i32
      %dma_start3A_23 = arith.constant 0 : i32
      %dma_start3A_24 = tpu.memref_slice %arg2[%dma_start3A_22, %dma_start3A_23] : memref<10000x128xf32, #tpu.memory_space<hbm>> -> memref<10000x128xf32, #tpu.memory_space<hbm>>
      tpu.enqueue_indirect_dma source(%dma_start3A_24 : memref<10000x128xf32, #tpu.memory_space<hbm>>) target(%dma_start3A_18 : memref<80x128xf32, #tpu.memory_space<vmem>>) offsets(%dma_start3A_21 : memref<80xi32, #tpu.memory_space<vmem>>) semaphore(%arg7 : memref<!tpu.dma_semaphore, #tpu.memory_space<semaphore_mem>>)
      %dma_start3A_25 = arith.constant 1 : i32
      %dma_start3A_26 = arith.constant 80 : i32
      %dma_start3A_27 = arith.constant 0 : i32
      %dma_start3A_28 = tpu.memref_slice %arg6[%dma_start3A_26, %dma_start3A_27] : memref<800x128xf32, #tpu.memory_space<vmem>> -> memref<80x128xf32, #tpu.memory_space<vmem>>
      %dma_start3A_29 = arith.constant 0 : i32
      %dma_start3A_30 = tpu.memref_slice %arg5[%dma_start3A_25, %dma_start3A_29] : memref<10x80xi32, #tpu.memory_space<vmem>> -> memref<1x80xi32, #tpu.memory_space<vmem>>
      %dma_start3A_31 = tpu.memref_squeeze %dma_start3A_30 : memref<1x80xi32, #tpu.memory_space<vmem>> -> memref<80xi32, #tpu.memory_space<vmem>>
      %dma_start3A_32 = arith.constant 0 : i32
      %dma_start3A_33 = arith.constant 0 : i32
      %dma_start3A_34 = tpu.memref_slice %arg2[%dma_start3A_32, %dma_start3A_33] : memref<10000x128xf32, #tpu.memory_space<hbm>> -> memref<10000x128xf32, #tpu.memory_space<hbm>>
      tpu.enqueue_indirect_dma source(%dma_start3A_34 : memref<10000x128xf32, #tpu.memory_space<hbm>>) target(%dma_start3A_28 : memref<80x128xf32, #tpu.memory_space<vmem>>) offsets(%dma_start3A_31 : memref<80xi32, #tpu.memory_space<vmem>>) semaphore(%arg7 : memref<!tpu.dma_semaphore, #tpu.memory_space<semaphore_mem>>)
      %dma_start3A_35 = arith.constant 2 : i32
      %dma_start3A_36 = arith.constant 160 : i32
      %dma_start3A_37 = arith.constant 0 : i32
      %dma_start3A_38 = tpu.memref_slice %arg6[%dma_start3A_36, %dma_start3A_37] : memref<800x128xf32, #tpu.memory_space<vmem>> -> memref<80x128xf32, #tpu.memory_space<vmem>>
      %dma_start3A_39 = arith.constant 0 : i32
      %dma_start3A_40 = tpu.memref_slice %arg5[%dma_start3A_35, %dma_start3A_39] : memref<10x80xi32, #tpu.memory_space<vmem>> -> memref<1x80xi32, #tpu.memory_space<vmem>>
      %dma_start3A_41 = tpu.memref_squeeze %dma_start3A_40 : memref<1x80xi32, #tpu.memory_space<vmem>> -> memref<80xi32, #tpu.memory_space<vmem>>
      %dma_start3A_42 = arith.constant 0 : i32
      %dma_start3A_43 = arith.constant 0 : i32
      %dma_start3A_44 = tpu.memref_slice %arg2[%dma_start3A_42, %dma_start3A_43] : memref<10000x128xf32, #tpu.memory_space<hbm>> -> memref<10000x128xf32, #tpu.memory_space<hbm>>
      tpu.enqueue_indirect_dma source(%dma_start3A_44 : memref<10000x128xf32, #tpu.memory_space<hbm>>) target(%dma_start3A_38 : memref<80x128xf32, #tpu.memory_space<vmem>>) offsets(%dma_start3A_41 : memref<80xi32, #tpu.memory_space<vmem>>) semaphore(%arg7 : memref<!tpu.dma_semaphore, #tpu.memory_space<semaphore_mem>>)
      %dma_start3A_45 = arith.constant 3 : i32
      %dma_start3A_46 = arith.constant 240 : i32
      %dma_start3A_47 = arith.constant 0 : i32
      %dma_start3A_48 = tpu.memref_slice %arg6[%dma_start3A_46, %dma_start3A_47] : memref<800x128xf32, #tpu.memory_space<vmem>> -> memref<80x128xf32, #tpu.memory_space<vmem>>
      %dma_start3A_49 = arith.constant 0 : i32
      %dma_start3A_50 = tpu.memref_slice %arg5[%dma_start3A_45, %dma_start3A_49] : memref<10x80xi32, #tpu.memory_space<vmem>> -> memref<1x80xi32, #tpu.memory_space<vmem>>
      %dma_start3A_51 = tpu.memref_squeeze %dma_start3A_50 : memref<1x80xi32, #tpu.memory_space<vmem>> -> memref<80xi32, #tpu.memory_space<vmem>>
      %dma_start3A_52 = arith.constant 0 : i32
      %dma_start3A_53 = arith.constant 0 : i32
      %dma_start3A_54 = tpu.memref_slice %arg2[%dma_start3A_52, %dma_start3A_53] : memref<10000x128xf32, #tpu.memory_space<hbm>> -> memref<10000x128xf32, #tpu.memory_space<hbm>>
      tpu.enqueue_indirect_dma source(%dma_start3A_54 : memref<10000x128xf32, #tpu.memory_space<hbm>>) target(%dma_start3A_48 : memref<80x128xf32, #tpu.memory_space<vmem>>) offsets(%dma_start3A_51 : memref<80xi32, #tpu.memory_space<vmem>>) semaphore(%arg7 : memref<!tpu.dma_semaphore, #tpu.memory_space<semaphore_mem>>)
      %dma_start3A_55 = arith.constant 4 : i32
      %dma_start3A_56 = arith.constant 320 : i32
      %dma_start3A_57 = arith.constant 0 : i32
      %dma_start3A_58 = tpu.memref_slice %arg6[%dma_start3A_56, %dma_start3A_57] : memref<800x128xf32, #tpu.memory_space<vmem>> -> memref<80x128xf32, #tpu.memory_space<vmem>>
      %dma_start3A_59 = arith.constant 0 : i32
      %dma_start3A_60 = tpu.memref_slice %arg5[%dma_start3A_55, %dma_start3A_59] : memref<10x80xi32, #tpu.memory_space<vmem>> -> memref<1x80xi32, #tpu.memory_space<vmem>>
      %dma_start3A_61 = tpu.memref_squeeze %dma_start3A_60 : memref<1x80xi32, #tpu.memory_space<vmem>> -> memref<80xi32, #tpu.memory_space<vmem>>
      %dma_start3A_62 = arith.constant 0 : i32
      %dma_start3A_63 = arith.constant 0 : i32
      %dma_start3A_64 = tpu.memref_slice %arg2[%dma_start3A_62, %dma_start3A_63] : memref<10000x128xf32, #tpu.memory_space<hbm>> -> memref<10000x128xf32, #tpu.memory_space<hbm>>
      tpu.enqueue_indirect_dma source(%dma_start3A_64 : memref<10000x128xf32, #tpu.memory_space<hbm>>) target(%dma_start3A_58 : memref<80x128xf32, #tpu.memory_space<vmem>>) offsets(%dma_start3A_61 : memref<80xi32, #tpu.memory_space<vmem>>) semaphore(%arg7 : memref<!tpu.dma_semaphore, #tpu.memory_space<semaphore_mem>>)
      %dma_start3A_65 = arith.constant 5 : i32
      %dma_start3A_66 = arith.constant 400 : i32
      %dma_start3A_67 = arith.constant 0 : i32
      %dma_start3A_68 = tpu.memref_slice %arg6[%dma_start3A_66, %dma_start3A_67] : memref<800x128xf32, #tpu.memory_space<vmem>> -> memref<80x128xf32, #tpu.memory_space<vmem>>
      %dma_start3A_69 = arith.constant 0 : i32
      %dma_start3A_70 = tpu.memref_slice %arg5[%dma_start3A_65, %dma_start3A_69] : memref<10x80xi32, #tpu.memory_space<vmem>> -> memref<1x80xi32, #tpu.memory_space<vmem>>
      %dma_start3A_71 = tpu.memref_squeeze %dma_start3A_70 : memref<1x80xi32, #tpu.memory_space<vmem>> -> memref<80xi32, #tpu.memory_space<vmem>>
      %dma_start3A_72 = arith.constant 0 : i32
      %dma_start3A_73 = arith.constant 0 : i32
      %dma_start3A_74 = tpu.memref_slice %arg2[%dma_start3A_72, %dma_start3A_73] : memref<10000x128xf32, #tpu.memory_space<hbm>> -> memref<10000x128xf32, #tpu.memory_space<hbm>>
      tpu.enqueue_indirect_dma source(%dma_start3A_74 : memref<10000x128xf32, #tpu.memory_space<hbm>>) target(%dma_start3A_68 : memref<80x128xf32, #tpu.memory_space<vmem>>) offsets(%dma_start3A_71 : memref<80xi32, #tpu.memory_space<vmem>>) semaphore(%arg7 : memref<!tpu.dma_semaphore, #tpu.memory_space<semaphore_mem>>)
      %dma_start3A_75 = arith.constant 6 : i32
      %dma_start3A_76 = arith.constant 480 : i32
      %dma_start3A_77 = arith.constant 0 : i32
      %dma_start3A_78 = tpu.memref_slice %arg6[%dma_start3A_76, %dma_start3A_77] : memref<800x128xf32, #tpu.memory_space<vmem>> -> memref<80x128xf32, #tpu.memory_space<vmem>>
      %dma_start3A_79 = arith.constant 0 : i32
      %dma_start3A_80 = tpu.memref_slice %arg5[%dma_start3A_75, %dma_start3A_79] : memref<10x80xi32, #tpu.memory_space<vmem>> -> memref<1x80xi32, #tpu.memory_space<vmem>>
      %dma_start3A_81 = tpu.memref_squeeze %dma_start3A_80 : memref<1x80xi32, #tpu.memory_space<vmem>> -> memref<80xi32, #tpu.memory_space<vmem>>
      %dma_start3A_82 = arith.constant 0 : i32
      %dma_start3A_83 = arith.constant 0 : i32
      %dma_start3A_84 = tpu.memref_slice %arg2[%dma_start3A_82, %dma_start3A_83] : memref<10000x128xf32, #tpu.memory_space<hbm>> -> memref<10000x128xf32, #tpu.memory_space<hbm>>
      tpu.enqueue_indirect_dma source(%dma_start3A_84 : memref<10000x128xf32, #tpu.memory_space<hbm>>) target(%dma_start3A_78 : memref<80x128xf32, #tpu.memory_space<vmem>>) offsets(%dma_start3A_81 : memref<80xi32, #tpu.memory_space<vmem>>) semaphore(%arg7 : memref<!tpu.dma_semaphore, #tpu.memory_space<semaphore_mem>>)
      %dma_start3A_85 = arith.constant 7 : i32
      %dma_start3A_86 = arith.constant 560 : i32
      %dma_start3A_87 = arith.constant 0 : i32
      %dma_start3A_88 = tpu.memref_slice %arg6[%dma_start3A_86, %dma_start3A_87] : memref<800x128xf32, #tpu.memory_space<vmem>> -> memref<80x128xf32, #tpu.memory_space<vmem>>
      %dma_start3A_89 = arith.constant 0 : i32
      %dma_start3A_90 = tpu.memref_slice %arg5[%dma_start3A_85, %dma_start3A_89] : memref<10x80xi32, #tpu.memory_space<vmem>> -> memref<1x80xi32, #tpu.memory_space<vmem>>
      %dma_start3A_91 = tpu.memref_squeeze %dma_start3A_90 : memref<1x80xi32, #tpu.memory_space<vmem>> -> memref<80xi32, #tpu.memory_space<vmem>>
      %dma_start3A_92 = arith.constant 0 : i32
      %dma_start3A_93 = arith.constant 0 : i32
      %dma_start3A_94 = tpu.memref_slice %arg2[%dma_start3A_92, %dma_start3A_93] : memref<10000x128xf32, #tpu.memory_space<hbm>> -> memref<10000x128xf32, #tpu.memory_space<hbm>>
      tpu.enqueue_indirect_dma source(%dma_start3A_94 : memref<10000x128xf32, #tpu.memory_space<hbm>>) target(%dma_start3A_88 : memref<80x128xf32, #tpu.memory_space<vmem>>) offsets(%dma_start3A_91 : memref<80xi32, #tpu.memory_space<vmem>>) semaphore(%arg7 : memref<!tpu.dma_semaphore, #tpu.memory_space<semaphore_mem>>)
      %dma_start3A_95 = arith.constant 8 : i32
      %dma_start3A_96 = arith.constant 640 : i32
      %dma_start3A_97 = arith.constant 0 : i32
      %dma_start3A_98 = tpu.memref_slice %arg6[%dma_start3A_96, %dma_start3A_97] : memref<800x128xf32, #tpu.memory_space<vmem>> -> memref<80x128xf32, #tpu.memory_space<vmem>>
      %dma_start3A_99 = arith.constant 0 : i32
      %dma_start3A_100 = tpu.memref_slice %arg5[%dma_start3A_95, %dma_start3A_99] : memref<10x80xi32, #tpu.memory_space<vmem>> -> memref<1x80xi32, #tpu.memory_space<vmem>>
      %dma_start3A_101 = tpu.memref_squeeze %dma_start3A_100 : memref<1x80xi32, #tpu.memory_space<vmem>> -> memref<80xi32, #tpu.memory_space<vmem>>
      %dma_start3A_102 = arith.constant 0 : i32
      %dma_start3A_103 = arith.constant 0 : i32
      %dma_start3A_104 = tpu.memref_slice %arg2[%dma_start3A_102, %dma_start3A_103] : memref<10000x128xf32, #tpu.memory_space<hbm>> -> memref<10000x128xf32, #tpu.memory_space<hbm>>
      tpu.enqueue_indirect_dma source(%dma_start3A_104 : memref<10000x128xf32, #tpu.memory_space<hbm>>) target(%dma_start3A_98 : memref<80x128xf32, #tpu.memory_space<vmem>>) offsets(%dma_start3A_101 : memref<80xi32, #tpu.memory_space<vmem>>) semaphore(%arg7 : memref<!tpu.dma_semaphore, #tpu.memory_space<semaphore_mem>>)
      %dma_start3A_105 = arith.constant 9 : i32
      %dma_start3A_106 = arith.constant 720 : i32
      %dma_start3A_107 = arith.constant 0 : i32
      %dma_start3A_108 = tpu.memref_slice %arg6[%dma_start3A_106, %dma_start3A_107] : memref<800x128xf32, #tpu.memory_space<vmem>> -> memref<80x128xf32, #tpu.memory_space<vmem>>
      %dma_start3A_109 = arith.constant 0 : i32
      %dma_start3A_110 = tpu.memref_slice %arg5[%dma_start3A_105, %dma_start3A_109] : memref<10x80xi32, #tpu.memory_space<vmem>> -> memref<1x80xi32, #tpu.memory_space<vmem>>
      %dma_start3A_111 = tpu.memref_squeeze %dma_start3A_110 : memref<1x80xi32, #tpu.memory_space<vmem>> -> memref<80xi32, #tpu.memory_space<vmem>>
      %dma_start3A_112 = arith.constant 0 : i32
      %dma_start3A_113 = arith.constant 0 : i32
      %dma_start3A_114 = tpu.memref_slice %arg2[%dma_start3A_112, %dma_start3A_113] : memref<10000x128xf32, #tpu.memory_space<hbm>> -> memref<10000x128xf32, #tpu.memory_space<hbm>>
      tpu.enqueue_indirect_dma source(%dma_start3A_114 : memref<10000x128xf32, #tpu.memory_space<hbm>>) target(%dma_start3A_108 : memref<80x128xf32, #tpu.memory_space<vmem>>) offsets(%dma_start3A_111 : memref<80xi32, #tpu.memory_space<vmem>>) semaphore(%arg7 : memref<!tpu.dma_semaphore, #tpu.memory_space<semaphore_mem>>)
      %dma_wait3A_115 = arith.constant 0 : i32
      %dma_wait3A_116 = arith.constant 0 : i32
      %dma_wait3A_117 = arith.constant 0 : i32
      %dma_wait3A_118 = tpu.memref_slice %arg6[%dma_wait3A_116, %dma_wait3A_117] : memref<800x128xf32, #tpu.memory_space<vmem>> -> memref<80x128xf32, #tpu.memory_space<vmem>>
      %dma_wait3A_119 = arith.constant 0 : i32
      %dma_wait3A_120 = tpu.memref_slice %arg5[%dma_wait3A_115, %dma_wait3A_119] : memref<10x80xi32, #tpu.memory_space<vmem>> -> memref<1x80xi32, #tpu.memory_space<vmem>>
      %dma_wait3A_121 = tpu.memref_squeeze %dma_wait3A_120 : memref<1x80xi32, #tpu.memory_space<vmem>> -> memref<80xi32, #tpu.memory_space<vmem>>
      %dma_wait3A_122 = arith.constant 0 : i32
      %dma_wait3A_123 = arith.constant 0 : i32
      %dma_wait3A_124 = tpu.memref_slice %arg2[%dma_wait3A_122, %dma_wait3A_123] : memref<10000x128xf32, #tpu.memory_space<hbm>> -> memref<10000x128xf32, #tpu.memory_space<hbm>>
      tpu.wait_indirect_dma semaphore(%arg7 : memref<!tpu.dma_semaphore, #tpu.memory_space<semaphore_mem>>) src(%dma_wait3A_124 : memref<10000x128xf32, #tpu.memory_space<hbm>>) dst(%dma_wait3A_118 : memref<80x128xf32, #tpu.memory_space<vmem>>)
      %dma_wait3A_125 = arith.constant 1 : i32
      %dma_wait3A_126 = arith.constant 80 : i32
      %dma_wait3A_127 = arith.constant 0 : i32
      %dma_wait3A_128 = tpu.memref_slice %arg6[%dma_wait3A_126, %dma_wait3A_127] : memref<800x128xf32, #tpu.memory_space<vmem>> -> memref<80x128xf32, #tpu.memory_space<vmem>>
      %dma_wait3A_129 = arith.constant 0 : i32
      %dma_wait3A_130 = tpu.memref_slice %arg5[%dma_wait3A_125, %dma_wait3A_129] : memref<10x80xi32, #tpu.memory_space<vmem>> -> memref<1x80xi32, #tpu.memory_space<vmem>>
      %dma_wait3A_131 = tpu.memref_squeeze %dma_wait3A_130 : memref<1x80xi32, #tpu.memory_space<vmem>> -> memref<80xi32, #tpu.memory_space<vmem>>
      %dma_wait3A_132 = arith.constant 0 : i32
      %dma_wait3A_133 = arith.constant 0 : i32
      %dma_wait3A_134 = tpu.memref_slice %arg2[%dma_wait3A_132, %dma_wait3A_133] : memref<10000x128xf32, #tpu.memory_space<hbm>> -> memref<10000x128xf32, #tpu.memory_space<hbm>>
      tpu.wait_indirect_dma semaphore(%arg7 : memref<!tpu.dma_semaphore, #tpu.memory_space<semaphore_mem>>) src(%dma_wait3A_134 : memref<10000x128xf32, #tpu.memory_space<hbm>>) dst(%dma_wait3A_128 : memref<80x128xf32, #tpu.memory_space<vmem>>)
      %dma_wait3A_135 = arith.constant 2 : i32
      %dma_wait3A_136 = arith.constant 160 : i32
      %dma_wait3A_137 = arith.constant 0 : i32
      %dma_wait3A_138 = tpu.memref_slice %arg6[%dma_wait3A_136, %dma_wait3A_137] : memref<800x128xf32, #tpu.memory_space<vmem>> -> memref<80x128xf32, #tpu.memory_space<vmem>>
      %dma_wait3A_139 = arith.constant 0 : i32
      %dma_wait3A_140 = tpu.memref_slice %arg5[%dma_wait3A_135, %dma_wait3A_139] : memref<10x80xi32, #tpu.memory_space<vmem>> -> memref<1x80xi32, #tpu.memory_space<vmem>>
      %dma_wait3A_141 = tpu.memref_squeeze %dma_wait3A_140 : memref<1x80xi32, #tpu.memory_space<vmem>> -> memref<80xi32, #tpu.memory_space<vmem>>
      %dma_wait3A_142 = arith.constant 0 : i32
      %dma_wait3A_143 = arith.constant 0 : i32
      %dma_wait3A_144 = tpu.memref_slice %arg2[%dma_wait3A_142, %dma_wait3A_143] : memref<10000x128xf32, #tpu.memory_space<hbm>> -> memref<10000x128xf32, #tpu.memory_space<hbm>>
      tpu.wait_indirect_dma semaphore(%arg7 : memref<!tpu.dma_semaphore, #tpu.memory_space<semaphore_mem>>) src(%dma_wait3A_144 : memref<10000x128xf32, #tpu.memory_space<hbm>>) dst(%dma_wait3A_138 : memref<80x128xf32, #tpu.memory_space<vmem>>)
      %dma_wait3A_145 = arith.constant 3 : i32
      %dma_wait3A_146 = arith.constant 240 : i32
      %dma_wait3A_147 = arith.constant 0 : i32
      %dma_wait3A_148 = tpu.memref_slice %arg6[%dma_wait3A_146, %dma_wait3A_147] : memref<800x128xf32, #tpu.memory_space<vmem>> -> memref<80x128xf32, #tpu.memory_space<vmem>>
      %dma_wait3A_149 = arith.constant 0 : i32
      %dma_wait3A_150 = tpu.memref_slice %arg5[%dma_wait3A_145, %dma_wait3A_149] : memref<10x80xi32, #tpu.memory_space<vmem>> -> memref<1x80xi32, #tpu.memory_space<vmem>>
      %dma_wait3A_151 = tpu.memref_squeeze %dma_wait3A_150 : memref<1x80xi32, #tpu.memory_space<vmem>> -> memref<80xi32, #tpu.memory_space<vmem>>
      %dma_wait3A_152 = arith.constant 0 : i32
      %dma_wait3A_153 = arith.constant 0 : i32
      %dma_wait3A_154 = tpu.memref_slice %arg2[%dma_wait3A_152, %dma_wait3A_153] : memref<10000x128xf32, #tpu.memory_space<hbm>> -> memref<10000x128xf32, #tpu.memory_space<hbm>>
      tpu.wait_indirect_dma semaphore(%arg7 : memref<!tpu.dma_semaphore, #tpu.memory_space<semaphore_mem>>) src(%dma_wait3A_154 : memref<10000x128xf32, #tpu.memory_space<hbm>>) dst(%dma_wait3A_148 : memref<80x128xf32, #tpu.memory_space<vmem>>)
      %dma_wait3A_155 = arith.constant 4 : i32
      %dma_wait3A_156 = arith.constant 320 : i32
      %dma_wait3A_157 = arith.constant 0 : i32
      %dma_wait3A_158 = tpu.memref_slice %arg6[%dma_wait3A_156, %dma_wait3A_157] : memref<800x128xf32, #tpu.memory_space<vmem>> -> memref<80x128xf32, #tpu.memory_space<vmem>>
      %dma_wait3A_159 = arith.constant 0 : i32
      %dma_wait3A_160 = tpu.memref_slice %arg5[%dma_wait3A_155, %dma_wait3A_159] : memref<10x80xi32, #tpu.memory_space<vmem>> -> memref<1x80xi32, #tpu.memory_space<vmem>>
      %dma_wait3A_161 = tpu.memref_squeeze %dma_wait3A_160 : memref<1x80xi32, #tpu.memory_space<vmem>> -> memref<80xi32, #tpu.memory_space<vmem>>
      %dma_wait3A_162 = arith.constant 0 : i32
      %dma_wait3A_163 = arith.constant 0 : i32
      %dma_wait3A_164 = tpu.memref_slice %arg2[%dma_wait3A_162, %dma_wait3A_163] : memref<10000x128xf32, #tpu.memory_space<hbm>> -> memref<10000x128xf32, #tpu.memory_space<hbm>>
      tpu.wait_indirect_dma semaphore(%arg7 : memref<!tpu.dma_semaphore, #tpu.memory_space<semaphore_mem>>) src(%dma_wait3A_164 : memref<10000x128xf32, #tpu.memory_space<hbm>>) dst(%dma_wait3A_158 : memref<80x128xf32, #tpu.memory_space<vmem>>)
      %dma_wait3A_165 = arith.constant 5 : i32
      %dma_wait3A_166 = arith.constant 400 : i32
      %dma_wait3A_167 = arith.constant 0 : i32
      %dma_wait3A_168 = tpu.memref_slice %arg6[%dma_wait3A_166, %dma_wait3A_167] : memref<800x128xf32, #tpu.memory_space<vmem>> -> memref<80x128xf32, #tpu.memory_space<vmem>>
      %dma_wait3A_169 = arith.constant 0 : i32
      %dma_wait3A_170 = tpu.memref_slice %arg5[%dma_wait3A_165, %dma_wait3A_169] : memref<10x80xi32, #tpu.memory_space<vmem>> -> memref<1x80xi32, #tpu.memory_space<vmem>>
      %dma_wait3A_171 = tpu.memref_squeeze %dma_wait3A_170 : memref<1x80xi32, #tpu.memory_space<vmem>> -> memref<80xi32, #tpu.memory_space<vmem>>
      %dma_wait3A_172 = arith.constant 0 : i32
      %dma_wait3A_173 = arith.constant 0 : i32
      %dma_wait3A_174 = tpu.memref_slice %arg2[%dma_wait3A_172, %dma_wait3A_173] : memref<10000x128xf32, #tpu.memory_space<hbm>> -> memref<10000x128xf32, #tpu.memory_space<hbm>>
      tpu.wait_indirect_dma semaphore(%arg7 : memref<!tpu.dma_semaphore, #tpu.memory_space<semaphore_mem>>) src(%dma_wait3A_174 : memref<10000x128xf32, #tpu.memory_space<hbm>>) dst(%dma_wait3A_168 : memref<80x128xf32, #tpu.memory_space<vmem>>)
      %dma_wait3A_175 = arith.constant 6 : i32
      %dma_wait3A_176 = arith.constant 480 : i32
      %dma_wait3A_177 = arith.constant 0 : i32
      %dma_wait3A_178 = tpu.memref_slice %arg6[%dma_wait3A_176, %dma_wait3A_177] : memref<800x128xf32, #tpu.memory_space<vmem>> -> memref<80x128xf32, #tpu.memory_space<vmem>>
      %dma_wait3A_179 = arith.constant 0 : i32
      %dma_wait3A_180 = tpu.memref_slice %arg5[%dma_wait3A_175, %dma_wait3A_179] : memref<10x80xi32, #tpu.memory_space<vmem>> -> memref<1x80xi32, #tpu.memory_space<vmem>>
      %dma_wait3A_181 = tpu.memref_squeeze %dma_wait3A_180 : memref<1x80xi32, #tpu.memory_space<vmem>> -> memref<80xi32, #tpu.memory_space<vmem>>
      %dma_wait3A_182 = arith.constant 0 : i32
      %dma_wait3A_183 = arith.constant 0 : i32
      %dma_wait3A_184 = tpu.memref_slice %arg2[%dma_wait3A_182, %dma_wait3A_183] : memref<10000x128xf32, #tpu.memory_space<hbm>> -> memref<10000x128xf32, #tpu.memory_space<hbm>>
      tpu.wait_indirect_dma semaphore(%arg7 : memref<!tpu.dma_semaphore, #tpu.memory_space<semaphore_mem>>) src(%dma_wait3A_184 : memref<10000x128xf32, #tpu.memory_space<hbm>>) dst(%dma_wait3A_178 : memref<80x128xf32, #tpu.memory_space<vmem>>)
      %dma_wait3A_185 = arith.constant 7 : i32
      %dma_wait3A_186 = arith.constant 560 : i32
      %dma_wait3A_187 = arith.constant 0 : i32
      %dma_wait3A_188 = tpu.memref_slice %arg6[%dma_wait3A_186, %dma_wait3A_187] : memref<800x128xf32, #tpu.memory_space<vmem>> -> memref<80x128xf32, #tpu.memory_space<vmem>>
      %dma_wait3A_189 = arith.constant 0 : i32
      %dma_wait3A_190 = tpu.memref_slice %arg5[%dma_wait3A_185, %dma_wait3A_189] : memref<10x80xi32, #tpu.memory_space<vmem>> -> memref<1x80xi32, #tpu.memory_space<vmem>>
      %dma_wait3A_191 = tpu.memref_squeeze %dma_wait3A_190 : memref<1x80xi32, #tpu.memory_space<vmem>> -> memref<80xi32, #tpu.memory_space<vmem>>
      %dma_wait3A_192 = arith.constant 0 : i32
      %dma_wait3A_193 = arith.constant 0 : i32
      %dma_wait3A_194 = tpu.memref_slice %arg2[%dma_wait3A_192, %dma_wait3A_193] : memref<10000x128xf32, #tpu.memory_space<hbm>> -> memref<10000x128xf32, #tpu.memory_space<hbm>>
      tpu.wait_indirect_dma semaphore(%arg7 : memref<!tpu.dma_semaphore, #tpu.memory_space<semaphore_mem>>) src(%dma_wait3A_194 : memref<10000x128xf32, #tpu.memory_space<hbm>>) dst(%dma_wait3A_188 : memref<80x128xf32, #tpu.memory_space<vmem>>)
      %dma_wait3A_195 = arith.constant 8 : i32
      %dma_wait3A_196 = arith.constant 640 : i32
      %dma_wait3A_197 = arith.constant 0 : i32
      %dma_wait3A_198 = tpu.memref_slice %arg6[%dma_wait3A_196, %dma_wait3A_197] : memref<800x128xf32, #tpu.memory_space<vmem>> -> memref<80x128xf32, #tpu.memory_space<vmem>>
      %dma_wait3A_199 = arith.constant 0 : i32
      %dma_wait3A_200 = tpu.memref_slice %arg5[%dma_wait3A_195, %dma_wait3A_199] : memref<10x80xi32, #tpu.memory_space<vmem>> -> memref<1x80xi32, #tpu.memory_space<vmem>>
      %dma_wait3A_201 = tpu.memref_squeeze %dma_wait3A_200 : memref<1x80xi32, #tpu.memory_space<vmem>> -> memref<80xi32, #tpu.memory_space<vmem>>
      %dma_wait3A_202 = arith.constant 0 : i32
      %dma_wait3A_203 = arith.constant 0 : i32
      %dma_wait3A_204 = tpu.memref_slice %arg2[%dma_wait3A_202, %dma_wait3A_203] : memref<10000x128xf32, #tpu.memory_space<hbm>> -> memref<10000x128xf32, #tpu.memory_space<hbm>>
      tpu.wait_indirect_dma semaphore(%arg7 : memref<!tpu.dma_semaphore, #tpu.memory_space<semaphore_mem>>) src(%dma_wait3A_204 : memref<10000x128xf32, #tpu.memory_space<hbm>>) dst(%dma_wait3A_198 : memref<80x128xf32, #tpu.memory_space<vmem>>)
      %dma_wait3A_205 = arith.constant 9 : i32
      %dma_wait3A_206 = arith.constant 720 : i32
      %dma_wait3A_207 = arith.constant 0 : i32
      %dma_wait3A_208 = tpu.memref_slice %arg6[%dma_wait3A_206, %dma_wait3A_207] : memref<800x128xf32, #tpu.memory_space<vmem>> -> memref<80x128xf32, #tpu.memory_space<vmem>>
      %dma_wait3A_209 = arith.constant 0 : i32
      %dma_wait3A_210 = tpu.memref_slice %arg5[%dma_wait3A_205, %dma_wait3A_209] : memref<10x80xi32, #tpu.memory_space<vmem>> -> memref<1x80xi32, #tpu.memory_space<vmem>>
      %dma_wait3A_211 = tpu.memref_squeeze %dma_wait3A_210 : memref<1x80xi32, #tpu.memory_space<vmem>> -> memref<80xi32, #tpu.memory_space<vmem>>
      %dma_wait3A_212 = arith.constant 0 : i32
      %dma_wait3A_213 = arith.constant 0 : i32
      %dma_wait3A_214 = tpu.memref_slice %arg2[%dma_wait3A_212, %dma_wait3A_213] : memref<10000x128xf32, #tpu.memory_space<hbm>> -> memref<10000x128xf32, #tpu.memory_space<hbm>>
      tpu.wait_indirect_dma semaphore(%arg7 : memref<!tpu.dma_semaphore, #tpu.memory_space<semaphore_mem>>) src(%dma_wait3A_214 : memref<10000x128xf32, #tpu.memory_space<hbm>>) dst(%dma_wait3A_208 : memref<80x128xf32, #tpu.memory_space<vmem>>)
      %mul3A_215 = arith.constant 800 : i32
      %mul3A_216 = arith.muli %scan3A_13, %mul3A_215 : i32
      %add3A = arith.addi %mul3A_0, %mul3A_216 : i32
      %dma_start3A_217 = arith.constant 0 : i32
      %dma_start3A_218 = tpu.memref_slice %arg4[%arg0, %add3A, %dma_start3A_217] : memref<2x320000x128xf32, #tpu.memory_space<hbm>> -> memref<1x800x128xf32, #tpu.memory_space<hbm>>
      %dma_start3A_219 = tpu.memref_squeeze %dma_start3A_218 : memref<1x800x128xf32, #tpu.memory_space<hbm>> -> memref<800x128xf32, #tpu.memory_space<hbm>>
      %dma_start3A_220 = arith.constant 0 : i32
      %dma_start3A_221 = tpu.memref_slice %arg4[%arg0, %add3A, %dma_start3A_220] : memref<2x320000x128xf32, #tpu.memory_space<hbm>> -> memref<1x800x128xf32, #tpu.memory_space<hbm>>
      %dma_start3A_222 = tpu.memref_squeeze %dma_start3A_221 : memref<1x800x128xf32, #tpu.memory_space<hbm>> -> memref<800x128xf32, #tpu.memory_space<hbm>>
      tpu.enqueue_dma source(%arg6 : memref<800x128xf32, #tpu.memory_space<vmem>>) target(%dma_start3A_222 : memref<800x128xf32, #tpu.memory_space<hbm>>) target_semaphore(%arg8 : memref<!tpu.dma_semaphore, #tpu.memory_space<semaphore_mem>>)
    }
    %scan3A_5 = arith.constant 25 : i32
    %dma_wait3A = arith.constant 0 : i32
    %dma_wait3A_6 = arith.constant 0 : i32
    %dma_wait3A_7 = tpu.memref_slice %arg4[%arg0, %dma_wait3A, %dma_wait3A_6] : memref<2x320000x128xf32, #tpu.memory_space<hbm>> -> memref<1x800x128xf32, #tpu.memory_space<hbm>>
    %dma_wait3A_8 = tpu.memref_squeeze %dma_wait3A_7 : memref<1x800x128xf32, #tpu.memory_space<hbm>> -> memref<800x128xf32, #tpu.memory_space<hbm>>
    %dma_wait3A_9 = arith.constant 0 : i32
    %dma_wait3A_10 = arith.constant 0 : i32
    %dma_wait3A_11 = tpu.memref_slice %arg4[%arg0, %dma_wait3A_9, %dma_wait3A_10] : memref<2x320000x128xf32, #tpu.memory_space<hbm>> -> memref<1x800x128xf32, #tpu.memory_space<hbm>>
    %dma_wait3A_12 = tpu.memref_squeeze %dma_wait3A_11 : memref<1x800x128xf32, #tpu.memory_space<hbm>> -> memref<800x128xf32, #tpu.memory_space<hbm>>
    tpu.wait_dma2 semaphore(%arg8 : memref<!tpu.dma_semaphore, #tpu.memory_space<semaphore_mem>>) src(%arg6 : memref<800x128xf32, #tpu.memory_space<vmem>>) dst(%dma_wait3A_12 : memref<800x128xf32, #tpu.memory_space<hbm>>)
    return
  }
}

module attributes {stable_mosaic.version = 14 : i64} {
  func.func @_proj_body(%arg0: memref<10000x128xf32, #tpu.memory_space<vmem>>, %arg1: memref<259x64xf32, #tpu.memory_space<vmem>>, %arg2: memref<1x64xf32, #tpu.memory_space<vmem>>, %arg3: memref<10000x128xf32, #tpu.memory_space<vmem>>) attributes {dimension_semantics = [], scalar_prefetch = 0 : i64, scratch_operands = 0 : i64, tpu.core_type = #tpu.core_type<tc>} {
    %get3A = arith.constant 0 : index
    %get3A_0 = arith.constant 0 : index
    %get3A_1 = vector.load %arg0[%get3A, %get3A_0] : memref<10000x128xf32, #tpu.memory_space<vmem>>, vector<10000x128xf32>
    %get3A_2 = arith.constant 0 : index
    %get3A_3 = arith.constant 0 : index
    %get3A_4 = vector.load %arg1[%get3A_2, %get3A_3] : memref<259x64xf32, #tpu.memory_space<vmem>>, vector<128x64xf32>
    %dot_general3A = arith.constant dense<0.000000e+00> : vector<10000x64xf32>
    %dot_general3A_5 = tpu.matmul %get3A_1, %get3A_4, %dot_general3A {dimension_numbers = #tpu.dot_dimension_numbers<[1], [0], [0], [1], [0, 0, 1, 1], [], []>, precision = #tpu.contract_precision<fp32>, transpose_lhs_hint = false} : vector<10000x128xf32>, vector<128x64xf32>, vector<10000x64xf32> -> vector<10000x64xf32>
    %get3A_6 = arith.constant 0 : index
    %get3A_7 = arith.constant 0 : index
    %get3A_8 = vector.load %arg2[%get3A_6, %get3A_7] : memref<1x64xf32, #tpu.memory_space<vmem>>, vector<1x64xf32>
    %add3A = vector.broadcast %get3A_8 : vector<1x64xf32> to vector<10000x64xf32>
    %add3A_9 = arith.addf %dot_general3A_5, %add3A : vector<10000x64xf32>
    %get3A_10 = arith.constant 128 : index
    %get3A_11 = arith.constant 0 : index
    %get3A_12 = vector.load %arg1[%get3A_10, %get3A_11] : memref<259x64xf32, #tpu.memory_space<vmem>>, vector<128x64xf32>
    %dot_general3A_13 = arith.constant dense<0.000000e+00> : vector<10000x64xf32>
    %dot_general3A_14 = tpu.matmul %get3A_1, %get3A_12, %dot_general3A_13 {dimension_numbers = #tpu.dot_dimension_numbers<[1], [0], [0], [1], [0, 0, 1, 1], [], []>, precision = #tpu.contract_precision<fp32>, transpose_lhs_hint = false} : vector<10000x128xf32>, vector<128x64xf32>, vector<10000x64xf32> -> vector<10000x64xf32>
    %swap3A = arith.constant 0 : index
    %swap3A_15 = arith.constant 0 : index
    %swap3A_16 = vector.load %arg3[%swap3A, %swap3A_15] : memref<10000x128xf32, #tpu.memory_space<vmem>>, vector<10000x64xf32>
    tpu.vector_store %arg3[%swap3A, %swap3A_15], %add3A_9 {strides = array<i32>} : memref<10000x128xf32, #tpu.memory_space<vmem>>, vector<10000x64xf32>,
    %swap3A_17 = arith.constant 0 : index
    %swap3A_18 = arith.constant 64 : index
    %swap3A_19 = vector.load %arg3[%swap3A_17, %swap3A_18] : memref<10000x128xf32, #tpu.memory_space<vmem>>, vector<10000x64xf32>
    tpu.vector_store %arg3[%swap3A_17, %swap3A_18], %dot_general3A_14 {strides = array<i32>} : memref<10000x128xf32, #tpu.memory_space<vmem>>, vector<10000x64xf32>,
    return
  }
}

module attributes {stable_mosaic.version = 14 : i64} {
  func.func @_mlp_body(%arg0: i32, %arg1: memref<1x4000x128xf32, #tpu.memory_space<vmem>>, %arg2: memref<1x4000x128xf32, #tpu.memory_space<vmem>>, %arg3: memref<4000x3xf32, #tpu.memory_space<vmem>>, %arg4: memref<3x64xf32, #tpu.memory_space<vmem>>, %arg5: memref<64x64xf32, #tpu.memory_space<vmem>>, %arg6: memref<1x64xf32, #tpu.memory_space<vmem>>, %arg7: memref<4000x128xf32, #tpu.memory_space<vmem>>) attributes {dimension_semantics = [#tpu.dimension_semantics<arbitrary>], iteration_bounds = array<i64: 80>, scalar_prefetch = 0 : i64, scratch_operands = 0 : i64, tpu.core_type = #tpu.core_type<tc>, window_params = [{transform_indices = @transform_0, window_bounds = array<i64: 1, 4000, 128>}, {transform_indices = @transform_1, window_bounds = array<i64: 1, 4000, 128>}, {transform_indices = @transform_2, window_bounds = array<i64: 4000, 3>}, {pipeline_mode = #tpu.pipeline_mode<synchronous>, transform_indices = @transform_3, window_bounds = array<i64: 3, 64>}, {pipeline_mode = #tpu.pipeline_mode<synchronous>, transform_indices = @transform_4, window_bounds = array<i64: 64, 64>}, {pipeline_mode = #tpu.pipeline_mode<synchronous>, transform_indices = @transform_5, window_bounds = array<i64: 1, 64>}, {transform_indices = @transform_6, window_bounds = array<i64: 4000, 128>}]} {
    %get3A = arith.constant 0 : index
    %get3A_0 = arith.constant 0 : index
    %get3A_1 = vector.load %arg3[%get3A, %get3A_0] : memref<4000x3xf32, #tpu.memory_space<vmem>>, vector<4000x3xf32>
    %get3A_2 = arith.constant 0 : index
    %get3A_3 = arith.constant 0 : index
    %get3A_4 = vector.load %arg4[%get3A_2, %get3A_3] : memref<3x64xf32, #tpu.memory_space<vmem>>, vector<3x64xf32>
    %get3A_5 = arith.constant 0 : index
    %get3A_6 = arith.constant 0 : index
    %get3A_7 = arith.constant 0 : index
    %get3A_8 = vector.load %arg1[%get3A_5, %get3A_6, %get3A_7] : memref<1x4000x128xf32, #tpu.memory_space<vmem>>, vector<1x4000x128xf32>
    %get3A_9 = vector.shape_cast %get3A_8 : vector<1x4000x128xf32> to vector<4000x128xf32>
    %slice3A = vector.extract_strided_slice %get3A_9 {offsets = [0, 0], sizes = [4000, 64], strides = [1, 1]} : vector<4000x128xf32> to vector<4000x64xf32>
    %get3A_10 = arith.constant 0 : index
    %get3A_11 = arith.constant 0 : index
    %get3A_12 = arith.constant 0 : index
    %get3A_13 = vector.load %arg2[%get3A_10, %get3A_11, %get3A_12] : memref<1x4000x128xf32, #tpu.memory_space<vmem>>, vector<1x4000x128xf32>
    %get3A_14 = vector.shape_cast %get3A_13 : vector<1x4000x128xf32> to vector<4000x128xf32>
    %slice3A_15 = vector.extract_strided_slice %get3A_14 {offsets = [0, 64], sizes = [4000, 64], strides = [1, 1]} : vector<4000x128xf32> to vector<4000x64xf32>
    %add3A = arith.addf %slice3A, %slice3A_15 : vector<4000x64xf32>
    %slice3A_16 = vector.extract_strided_slice %get3A_1 {offsets = [0, 0], sizes = [4000, 1], strides = [1, 1]} : vector<4000x3xf32> to vector<4000x1xf32>
    %slice3A_17 = vector.extract_strided_slice %get3A_4 {offsets = [0, 0], sizes = [1, 64], strides = [1, 1]} : vector<3x64xf32> to vector<1x64xf32>
    %mul3A = vector.broadcast %slice3A_16 : vector<4000x1xf32> to vector<4000x64xf32>
    %mul3A_18 = vector.broadcast %slice3A_17 : vector<1x64xf32> to vector<4000x64xf32>
    %mul3A_19 = arith.mulf %mul3A, %mul3A_18 : vector<4000x64xf32>
    %add3A_20 = arith.addf %add3A, %mul3A_19 : vector<4000x64xf32>
    %slice3A_21 = vector.extract_strided_slice %get3A_1 {offsets = [0, 1], sizes = [4000, 1], strides = [1, 1]} : vector<4000x3xf32> to vector<4000x1xf32>
    %slice3A_22 = vector.extract_strided_slice %get3A_4 {offsets = [1, 0], sizes = [1, 64], strides = [1, 1]} : vector<3x64xf32> to vector<1x64xf32>
    %mul3A_23 = vector.broadcast %slice3A_21 : vector<4000x1xf32> to vector<4000x64xf32>
    %mul3A_24 = vector.broadcast %slice3A_22 : vector<1x64xf32> to vector<4000x64xf32>
    %mul3A_25 = arith.mulf %mul3A_23, %mul3A_24 : vector<4000x64xf32>
    %add3A_26 = arith.addf %add3A_20, %mul3A_25 : vector<4000x64xf32>
    %slice3A_27 = vector.extract_strided_slice %get3A_1 {offsets = [0, 2], sizes = [4000, 1], strides = [1, 1]} : vector<4000x3xf32> to vector<4000x1xf32>
    %slice3A_28 = vector.extract_strided_slice %get3A_4 {offsets = [2, 0], sizes = [1, 64], strides = [1, 1]} : vector<3x64xf32> to vector<1x64xf32>
    %mul3A_29 = vector.broadcast %slice3A_27 : vector<4000x1xf32> to vector<4000x64xf32>
    %mul3A_30 = vector.broadcast %slice3A_28 : vector<1x64xf32> to vector<4000x64xf32>
    %mul3A_31 = arith.mulf %mul3A_29, %mul3A_30 : vector<4000x64xf32>
    %add3A_32 = arith.addf %add3A_26, %mul3A_31 : vector<4000x64xf32>
    %logistic3A = arith.negf %add3A_32 : vector<4000x64xf32>
    %logistic3A_33 = math.exp %logistic3A : vector<4000x64xf32>
    %logistic3A_34 = arith.constant 1.000000e+00 : f32
    %logistic3A_35 = vector.broadcast %logistic3A_34 : f32 to vector<4000x64xf32>
    %logistic3A_36 = arith.addf %logistic3A_35, %logistic3A_33 : vector<4000x64xf32>
    %logistic3A_37 = arith.divf %logistic3A_35, %logistic3A_36 : vector<4000x64xf32>
    %mul3A_38 = arith.mulf %add3A_32, %logistic3A_37 : vector<4000x64xf32>
    %get3A_39 = arith.constant 0 : index
    %get3A_40 = arith.constant 0 : index
    %get3A_41 = vector.load %arg5[%get3A_39, %get3A_40] : memref<64x64xf32, #tpu.memory_space<vmem>>, vector<64x64xf32>
    %dot_general3A = arith.constant dense<0.000000e+00> : vector<4000x64xf32>
    %dot_general3A_42 = tpu.matmul %mul3A_38, %get3A_41, %dot_general3A {dimension_numbers = #tpu.dot_dimension_numbers<[1], [0], [0], [1], [0, 0, 1, 1], [], []>, precision = #tpu.contract_precision<fp32>, transpose_lhs_hint = false} : vector<4000x64xf32>, vector<64x64xf32>, vector<4000x64xf32> -> vector<4000x64xf32>
    %get3A_43 = arith.constant 0 : index
    %get3A_44 = arith.constant 0 : index
    %get3A_45 = vector.load %arg6[%get3A_43, %get3A_44] : memref<1x64xf32, #tpu.memory_space<vmem>>, vector<1x64xf32>
    %add3A_46 = vector.broadcast %get3A_45 : vector<1x64xf32> to vector<4000x64xf32>
    %add3A_47 = arith.addf %dot_general3A_42, %add3A_46 : vector<4000x64xf32>
    %logistic3A_48 = arith.negf %add3A_47 : vector<4000x64xf32>
    %logistic3A_49 = math.exp %logistic3A_48 : vector<4000x64xf32>
    %logistic3A_50 = arith.constant 1.000000e+00 : f32
    %logistic3A_51 = vector.broadcast %logistic3A_50 : f32 to vector<4000x64xf32>
    %logistic3A_52 = arith.addf %logistic3A_51, %logistic3A_49 : vector<4000x64xf32>
    %logistic3A_53 = arith.divf %logistic3A_51, %logistic3A_52 : vector<4000x64xf32>
    %mul3A_54 = arith.mulf %add3A_47, %logistic3A_53 : vector<4000x64xf32>
    %swap3A = arith.constant 0 : index
    %swap3A_55 = arith.constant 0 : index
    %swap3A_56 = vector.load %arg7[%swap3A, %swap3A_55] : memref<4000x128xf32, #tpu.memory_space<vmem>>, vector<4000x64xf32>
    tpu.vector_store %arg7[%swap3A, %swap3A_55], %mul3A_54 {strides = array<i32>} : memref<4000x128xf32, #tpu.memory_space<vmem>>, vector<4000x64xf32>,
    %broadcast_in_dim3A = arith.constant 1.000000e+00 : f32
    %broadcast_in_dim3A_57 = vector.broadcast %broadcast_in_dim3A : f32 to vector<4000x16xf32>
    %swap3A_58 = arith.constant 0 : index
    %swap3A_59 = arith.constant 64 : index
    %swap3A_60 = vector.load %arg7[%swap3A_58, %swap3A_59] : memref<4000x128xf32, #tpu.memory_space<vmem>>, vector<4000x16xf32>
    tpu.vector_store %arg7[%swap3A_58, %swap3A_59], %broadcast_in_dim3A_57 {strides = array<i32>} : memref<4000x128xf32, #tpu.memory_space<vmem>>, vector<4000x16xf32>,
    %broadcast_in_dim3A_61 = arith.constant 0.000000e+00 : f32
    %broadcast_in_dim3A_62 = vector.broadcast %broadcast_in_dim3A_61 : f32 to vector<4000x48xf32>
    %swap3A_63 = arith.constant 0 : index
    %swap3A_64 = arith.constant 80 : index
    %swap3A_65 = vector.load %arg7[%swap3A_63, %swap3A_64] : memref<4000x128xf32, #tpu.memory_space<vmem>>, vector<4000x48xf32>
    tpu.vector_store %arg7[%swap3A_63, %swap3A_64], %broadcast_in_dim3A_62 {strides = array<i32>} : memref<4000x128xf32, #tpu.memory_space<vmem>>, vector<4000x48xf32>,
    return
  }
  func.func @transform_0(%arg0: i32) -> (i32, i32, i32) {
    %c0_i32 = arith.constant 0 : i32
    %c0_i32_0 = arith.constant 0 : i32
    %c0_i32_1 = arith.constant 0 : i32
    return %c0_i32, %arg0, %c0_i32_0 : i32, i32, i32
  }
  func.func @transform_1(%arg0: i32) -> (i32, i32, i32) {
    %c1_i32 = arith.constant 1 : i32
    %c0_i32 = arith.constant 0 : i32
    %c0_i32_0 = arith.constant 0 : i32
    return %c1_i32, %arg0, %c0_i32 : i32, i32, i32
  }
  func.func @transform_2(%arg0: i32) -> (i32, i32) {
    %c0_i32 = arith.constant 0 : i32
    %c0_i32_0 = arith.constant 0 : i32
    return %arg0, %c0_i32 : i32, i32
  }
  func.func @transform_3(%arg0: i32) -> (i32, i32) {
    %c0_i32 = arith.constant 0 : i32
    %c0_i32_0 = arith.constant 0 : i32
    %c0_i32_1 = arith.constant 0 : i32
    return %c0_i32, %c0_i32_0 : i32, i32
  }
  func.func @transform_4(%arg0: i32) -> (i32, i32) {
    %c0_i32 = arith.constant 0 : i32
    %c0_i32_0 = arith.constant 0 : i32
    %c0_i32_1 = arith.constant 0 : i32
    return %c0_i32, %c0_i32_0 : i32, i32
  }
  func.func @transform_5(%arg0: i32) -> (i32, i32) {
    %c0_i32 = arith.constant 0 : i32
    %c0_i32_0 = arith.constant 0 : i32
    %c0_i32_1 = arith.constant 0 : i32
    return %c0_i32, %c0_i32_0 : i32, i32
  }
  func.func @transform_6(%arg0: i32) -> (i32, i32) {
    %c0_i32 = arith.constant 0 : i32
    %c0_i32_0 = arith.constant 0 : i32
    return %arg0, %c0_i32 : i32, i32
  }
}

module attributes {stable_mosaic.version = 14 : i64} {
  func.func @_final_body(%arg0: memref<2x10000x128xf32, #tpu.memory_space<vmem>>, %arg1: memref<64x128xf32, #tpu.memory_space<vmem>>, %arg2: memref<1x128xf32, #tpu.memory_space<vmem>>, %arg3: memref<128x128xf32, #tpu.memory_space<vmem>>, %arg4: memref<10000x128xf32, #tpu.memory_space<vmem>>) attributes {dimension_semantics = [], scalar_prefetch = 0 : i64, scratch_operands = 0 : i64, tpu.core_type = #tpu.core_type<tc>} {
    %get3A = arith.constant 0 : index
    %get3A_0 = arith.constant 0 : index
    %get3A_1 = arith.constant 0 : index
    %get3A_2 = vector.load %arg0[%get3A, %get3A_0, %get3A_1] : memref<2x10000x128xf32, #tpu.memory_space<vmem>>, vector<1x10000x64xf32>
    %get3A_3 = vector.shape_cast %get3A_2 : vector<1x10000x64xf32> to vector<10000x64xf32>
    %get3A_4 = arith.constant 1 : index
    %get3A_5 = arith.constant 0 : index
    %get3A_6 = arith.constant 0 : index
    %get3A_7 = vector.load %arg0[%get3A_4, %get3A_5, %get3A_6] : memref<2x10000x128xf32, #tpu.memory_space<vmem>>, vector<1x10000x64xf32>
    %get3A_8 = vector.shape_cast %get3A_7 : vector<1x10000x64xf32> to vector<10000x64xf32>
    %get3A_9 = arith.constant 0 : index
    %get3A_10 = arith.constant 0 : index
    %get3A_11 = arith.constant 64 : index
    %get3A_12 = vector.load %arg0[%get3A_9, %get3A_10, %get3A_11] : memref<2x10000x128xf32, #tpu.memory_space<vmem>>, vector<1x10000x1xf32>
    %get3A_13 = vector.shape_cast %get3A_12 : vector<1x10000x1xf32> to vector<10000x1xf32>
    %get3A_14 = arith.constant 1 : index
    %get3A_15 = arith.constant 0 : index
    %get3A_16 = arith.constant 64 : index
    %get3A_17 = vector.load %arg0[%get3A_14, %get3A_15, %get3A_16] : memref<2x10000x128xf32, #tpu.memory_space<vmem>>, vector<1x10000x1xf32>
    %get3A_18 = vector.shape_cast %get3A_17 : vector<1x10000x1xf32> to vector<10000x1xf32>
    %max3A = arith.constant 1.000000e+00 : f32
    %max3A_19 = vector.broadcast %max3A : f32 to vector<10000x1xf32>
    %max3A_20 = arith.maximumf %get3A_13, %max3A_19 : vector<10000x1xf32>
    %div3A = vector.broadcast %max3A_20 : vector<10000x1xf32> to vector<10000x64xf32>
    %div3A_21 = arith.divf %get3A_3, %div3A : vector<10000x64xf32>
    %max3A_22 = arith.constant 1.000000e+00 : f32
    %max3A_23 = vector.broadcast %max3A_22 : f32 to vector<10000x1xf32>
    %max3A_24 = arith.maximumf %get3A_18, %max3A_23 : vector<10000x1xf32>
    %div3A_25 = vector.broadcast %max3A_24 : vector<10000x1xf32> to vector<10000x64xf32>
    %div3A_26 = arith.divf %get3A_8, %div3A_25 : vector<10000x64xf32>
    %add3A = arith.addf %div3A_21, %div3A_26 : vector<10000x64xf32>
    %gt3A = arith.constant 0.000000e+00 : f32
    %gt3A_27 = vector.broadcast %gt3A : f32 to vector<10000x1xf32>
    %gt3A_28 = arith.cmpf ogt, %get3A_13, %gt3A_27 : vector<10000x1xf32>
    %convert_element_type3A = arith.extui %gt3A_28 : vector<10000x1xi1> to vector<10000x1xi32>
    %convert_element_type3A_29 = arith.sitofp %convert_element_type3A : vector<10000x1xi32> to vector<10000x1xf32>
    %gt3A_30 = arith.constant 0.000000e+00 : f32
    %gt3A_31 = vector.broadcast %gt3A_30 : f32 to vector<10000x1xf32>
    %gt3A_32 = arith.cmpf ogt, %get3A_18, %gt3A_31 : vector<10000x1xf32>
    %convert_element_type3A_33 = arith.extui %gt3A_32 : vector<10000x1xi1> to vector<10000x1xi32>
    %convert_element_type3A_34 = arith.sitofp %convert_element_type3A_33 : vector<10000x1xi32> to vector<10000x1xf32>
    %add3A_35 = arith.addf %convert_element_type3A_29, %convert_element_type3A_34 : vector<10000x1xf32>
    %get3A_36 = arith.constant 0 : index
    %get3A_37 = arith.constant 0 : index
    %get3A_38 = vector.load %arg1[%get3A_36, %get3A_37] : memref<64x128xf32, #tpu.memory_space<vmem>>, vector<64x128xf32>
    %get3A_39 = arith.constant 0 : index
    %get3A_40 = arith.constant 0 : index
    %get3A_41 = vector.load %arg3[%get3A_39, %get3A_40] : memref<128x128xf32, #tpu.memory_space<vmem>>, vector<128x128xf32>
    %dot_general3A = arith.constant dense<0.000000e+00> : vector<64x128xf32>
    %dot_general3A_42 = tpu.matmul %get3A_38, %get3A_41, %dot_general3A {dimension_numbers = #tpu.dot_dimension_numbers<[1], [0], [0], [1], [0, 0, 1, 1], [], []>, precision = #tpu.contract_precision<fp32>, transpose_lhs_hint = false} : vector<64x128xf32>, vector<128x128xf32>, vector<64x128xf32> -> vector<64x128xf32>
    %get3A_43 = arith.constant 0 : index
    %get3A_44 = arith.constant 0 : index
    %get3A_45 = vector.load %arg2[%get3A_43, %get3A_44] : memref<1x128xf32, #tpu.memory_space<vmem>>, vector<1x128xf32>
    %get3A_46 = arith.constant 0 : index
    %get3A_47 = arith.constant 0 : index
    %get3A_48 = vector.load %arg3[%get3A_46, %get3A_47] : memref<128x128xf32, #tpu.memory_space<vmem>>, vector<128x128xf32>
    %dot_general3A_49 = arith.constant dense<0.000000e+00> : vector<1x128xf32>
    %dot_general3A_50 = tpu.matmul %get3A_45, %get3A_48, %dot_general3A_49 {dimension_numbers = #tpu.dot_dimension_numbers<[1], [0], [0], [1], [0, 0, 1, 1], [], []>, precision = #tpu.contract_precision<fp32>, transpose_lhs_hint = false} : vector<1x128xf32>, vector<128x128xf32>, vector<1x128xf32> -> vector<1x128xf32>
    %dot_general3A_51 = arith.constant dense<0.000000e+00> : vector<10000x128xf32>
    %dot_general3A_52 = tpu.matmul %add3A, %dot_general3A_42, %dot_general3A_51 {dimension_numbers = #tpu.dot_dimension_numbers<[1], [0], [0], [1], [0, 0, 1, 1], [], []>, precision = #tpu.contract_precision<fp32>, transpose_lhs_hint = false} : vector<10000x64xf32>, vector<64x128xf32>, vector<10000x128xf32> -> vector<10000x128xf32>
    %mul3A = vector.broadcast %add3A_35 : vector<10000x1xf32> to vector<10000x128xf32>
    %mul3A_53 = vector.broadcast %dot_general3A_50 : vector<1x128xf32> to vector<10000x128xf32>
    %mul3A_54 = arith.mulf %mul3A, %mul3A_53 : vector<10000x128xf32>
    %add3A_55 = arith.addf %dot_general3A_52, %mul3A_54 : vector<10000x128xf32>
    %mul3A_56 = arith.constant 0.0441941731 : f32
    %mul3A_57 = vector.broadcast %mul3A_56 : f32 to vector<10000x128xf32>
    %mul3A_58 = arith.mulf %add3A_55, %mul3A_57 : vector<10000x128xf32>
    %swap3A = arith.constant 0 : index
    %swap3A_59 = arith.constant 0 : index
    %swap3A_60 = vector.load %arg4[%swap3A, %swap3A_59] : memref<10000x128xf32, #tpu.memory_space<vmem>>, vector<10000x128xf32>
    tpu.vector_store %arg4[%swap3A, %swap3A_59], %mul3A_58 {strides = array<i32>} : memref<10000x128xf32, #tpu.memory_space<vmem>>, vector<10000x128xf32>,
    return
  }
}

</mosaic_0001>

<sc_bundles>
// kernel: kernel.10.cloned.1.call-start
scs
__scs_entry_jumppad:
0x0: {  	(pc) =	sbr.rel $0x88, $3  }
0x1: {  	(tag) =	ssettag $0x0;
	lr =	simm.s32 $0x1  }
0x2: {  	[smem:$0x3F97] =	sst lr;
	_ =	strace $0xD0000000  }
0x3: {  	_ = 	snop  }
0x4: {  	_ = 	snop  }
0x5: {  	_ = 	snop  }
0x6: {  	_ = 	snop  }
0x7: {  	_ = 	snop  }
__scs_overlays_trampoline_lowered:
0x8: {  	[smem:$0x3FA6] =	sst s0  }
0x9: {  	[smem:$0x3FA7] =	sst s1  }
0xa: {  	[smem:$0x3FA8] =	sst s2  }
0xb: {  	[smem:$0x3FA9] =	sst s3  }
0xc: {  	[smem:$0x3FAA] =	sst s4  }
0xd: {  	[smem:$0x3FAB] =	sst s5  }
0xe: {  	[smem:$0x3FAC] =	sst s6  }
0xf: {  	[smem:$0x3FAD] =	sst s7  }
0x10: {  	[smem:$0x3FAE] =	sst s8  }
0x11: {  	[smem:$0x3FAF] =	sst s9;
	s0 =	simm.s32 @!p0 $0x0  }
0x12: {  	s1 =	sld [smem:$0x3F95];
	s0 =	simm.s32 @p0 $0x1  }
0x13: {  	[smem:$0x3FB0] =	sst s0;
	s0 =	simm.s32 @!p1 $0x0  }
0x14: {  	s2 =	sld [smem:$0x3F94];
	s0 =	simm.s32 @p1 $0x1  }
0x15: {  	[smem:$0x3FB1] =	sst s0;
	s0 =	simm.s32 @!p2 $0x0  }
0x16: {  	s3 =	sld [smem:$0x3FDB];
	s0 =	simm.s32 @p2 $0x1  }
0x17: {  	s4 =	simm.s32 $0x1BF5;
	[smem:$0x3FB3] =	sst s0  }
0x18: {  	s0 =	sld [smem:$0x3F96];
	_ =	swait.ge [sflag:s4], $0x0  }
0x19: {  	s7 =	sld [smem:$0x3F97]  }
0x1a: {  	s8 =	sadd.s32 $0xFFFFE003, lr  }
0x1b: {  	s9 =	sadd.s32 $0xFFFFFEF7, lr;
	s5 =	simm.s32 $0xFFFFFFFF;
	p2 =	slt.u32 s8, $0xFFFFF086  }
0x1c: {  	p1 =	slt.u32 s9, $0xF7A;
	s5 =	simm.s32 @!p2 $0x0  }
0x1d: {  	s5 =	simm.s32 @p1 $0x1;
	p0 =	seq.s32 s7, s2  }
0x1e: {  	s7 =	smul.u32 @!p0 $0xF7A, s2;
	p2 =	seq.s32 @!p0 s5, $0x0  }
0x1f: {  	s9 =	smul.u32 $0xF7A, s1;
	s8 =	simm.s32 @!p0 $0x1BF5;
	p2 =	por !p2, p0  }
0x20: {  	[sflag:s8] =	ssyncset.s32 @!p0 $0xFFFFF086;
	s6 =	sadd.s32 @!p0 s3, s7;
	s7 =	simm.s32 @!p0 $0x108  }
0x21: {  	s3 =	sadd.s32 s3, s9;
	s6 =	sadd.s32 @!p0 $0x88, s6;
	s7 =	simm.s32 @p2 $0x1082  }
0x22: {  	[simem:s7], [sflag:s8] =	dma.local @!p0 [hbm:s6], $0xF7A  }
0x23: {  	s9 =	sor.u32 $0xD0000000, s2;
	s6 =	simm.s32 $0x108;
	_ =	swait.ge @!p0 [sflag:s8], $0x0  }
0x24: {  	s3 =	sadd.s32 $0x88, s3;
	s6 =	simm.s32 @!p1 $0x1082;
	[sflag:s4] =	ssyncset.s32 $0xFFFFF086  }
0x25: {  	[simem:s6], [sflag:s4] =	dma.local [hbm:s3], $0xF7A  }
0x26: {  	[smem:$0x3F97] =	sst s1;
	(tag) =	ssettag s2;
	_ =	strace s9  }
0x27: {  	s1 =	sld [smem:$0x3FA7]  }
0x28: {  	s2 =	sld [smem:$0x3FA8]  }
0x29: {  	s4 =	sld [smem:$0x3FAA]  }
0x2a: {  	p0 =	seq.s32 s5, $0x0;
	s5 =	sld [smem:$0x3FAB]  }
0x2b: {  	s6 =	sld [smem:$0x3FAC]  }
0x2c: {  	s7 =	sld [smem:$0x3FAD]  }
0x2d: {  	s3 =	simm.s32 $0x108;
	s8 =	sld [smem:$0x3FAE]  }
0x2e: {  	s3 =	simm.s32 @!p0 $0x1082;
	s9 =	sld [smem:$0x3FAF]  }
0x2f: {  	lr =	sadd.s32 s0, s3;
	s0 =	sld [smem:$0x3FA6]  }
0x30: {  	s3 =	sld [smem:$0x3FA9]  }
0x31: {  	[smem:$0x3FB2] =	sst s10  }
0x32: {  	s10 =	sld [smem:$0x3FB0];
	_ =	sdelay $0x3  }
0x33: {  	p0 =	seq.s32 s10, $0x1;
	s10 =	sld [smem:$0x3FB2];
	_ =	sdelay $0x3  }
0x34: {  	[smem:$0x3FB2] =	sst s10  }
0x35: {  	s10 =	sld [smem:$0x3FB1];
	_ =	sdelay $0x3  }
0x36: {  	p1 =	seq.s32 s10, $0x1;
	s10 =	sld [smem:$0x3FB2];
	_ =	sdelay $0x3  }
0x37: {  	[smem:$0x3FB2] =	sst s10  }
0x38: {  	s10 =	sld [smem:$0x3FB3]  }
0x39: {  	_ = 	snop;
	(pc) =	sbr.ind lr, $3  }
0x3a: {  	_ = 	snop  }
0x3b: {  	_ = 	snop  }
0x3c: {  	p2 =	seq.s32 s10, $0x1;
	s10 =	sld [smem:$0x3FB2]  }
0x3d: {  	_ =	shalt  }
0x3e: {  	_ =	shalt  }
0x3f: {  	_ =	shalt  }
0x40: {  	_ =	shalt  }
0x41: {  	_ =	shalt  }
0x42: {  	_ =	shalt  }
0x43: {  	_ =	shalt  }
0x44: {  	_ =	shalt  }
0x45: {  	_ =	shalt  }
0x46: {  	_ =	shalt  }
0x47: {  	_ =	shalt  }
0x48: {  	_ =	shalt  }
0x49: {  	_ =	shalt  }
0x4a: {  	_ =	shalt  }
0x4b: {  	_ =	shalt  }
0x4c: {  	_ =	shalt  }
0x4d: {  	_ =	shalt  }
0x4e: {  	_ =	shalt  }
0x4f: {  	_ =	shalt  }
0x50: {  	_ =	shalt  }
0x51: {  	_ =	shalt  }
0x52: {  	_ =	shalt  }
0x53: {  	_ =	shalt  }
0x54: {  	_ =	shalt  }
0x55: {  	_ =	shalt  }
0x56: {  	_ =	shalt  }
0x57: {  	_ =	shalt  }
0x58: {  	_ =	shalt  }
0x59: {  	_ =	shalt  }
0x5a: {  	_ =	shalt  }
0x5b: {  	_ =	shalt  }
0x5c: {  	_ =	shalt  }
0x5d: {  	_ =	shalt  }
0x5e: {  	_ =	shalt  }
0x5f: {  	_ =	shalt  }
0x60: {  	_ =	shalt  }
0x61: {  	_ =	shalt  }
0x62: {  	_ =	shalt  }
0x63: {  	_ =	shalt  }
0x64: {  	_ =	shalt  }
0x65: {  	_ =	shalt  }
0x66: {  	_ =	shalt  }
0x67: {  	_ =	shalt  }
0x68: {  	_ =	shalt  }
0x69: {  	_ =	shalt  }
0x6a: {  	_ =	shalt  }
0x6b: {  	_ =	shalt  }
0x6c: {  	_ =	shalt  }
0x6d: {  	_ =	shalt  }
0x6e: {  	_ =	shalt  }
0x6f: {  	_ =	shalt  }
0x70: {  	_ =	shalt  }
0x71: {  	_ =	shalt  }
0x72: {  	_ =	shalt  }
0x73: {  	_ =	shalt  }
0x74: {  	_ =	shalt  }
0x75: {  	_ =	shalt  }
0x76: {  	_ =	shalt  }
0x77: {  	_ =	shalt  }
0x78: {  	_ =	shalt  }
0x79: {  	_ =	shalt  }
0x7a: {  	_ =	shalt  }
0x7b: {  	_ =	shalt  }
0x7c: {  	_ =	shalt  }
0x7d: {  	_ =	shalt  }
0x7e: {  	_ =	shalt  }
0x7f: {  	_ =	shalt  }
0x80: {  	_ =	shalt  }
0x81: {  	_ =	shalt  }
0x82: {  	_ =	shalt  }
0x83: {  	_ =	shalt  }
0x84: {  	_ =	shalt  }
0x85: {  	_ =	shalt  }
0x86: {  	_ =	shalt  }
0x87: {  	_ =	shalt  }
.Lfunc_end0:
.L_simem_size_0:
called_computation.1_lowered:
.L_overlay_start_0:
0x88: {  	s2 =	sld [smem:$0x3FD9]  }
0x89: {  	s3 =	sld [smem:$0x3FFE];
	_ =	sdelay $0x1  }
0x8a: {  	s1 =	srdreg.scid  }
0x8b: {  	s0 =	sand.u32 $0x1, s1  }
0x8c: {  	s17 =	sshll.u32 s0, $0xA;
	s2 =	sadd.s32 s3, s2  }
0x8d: {  	s2 =	sadd.s32 s2, s17  }
0x8e: {  	[smem:$0x3FBE] =	sst s2  }
0x8f: {  	_ = 	snop  }
0x90: {  	s2 =	sld [smem:$0x3FD0];
	(tm) =	ssettm $0x1  }
0x91: {  	s18 =	sld [smem:$0x3FFB];
	_ =	sdelay $0x3  }
0x92: {  	_ =	strace s18  }
0x93: {  	s3 =	sld [smem:$0x3FFC];
	_ =	sdelay $0x3  }
0x94: {  	_ =	strace s3  }
0x95: {  	s3 =	sld [smem:$0x3FFD];
	_ =	sdelay $0x3  }
0x96: {  	_ =	strace s3  }
0x97: {  	_ =	strace $0x8FFFFFFF  }
0x98: {  	s19 =	sld [smem:$0x3FDB];
	_ =	sdelay $0x1  }
0x99: {  	s4 =	simm.s32 $_scs_section_size  }
0x9a: {  	s5 =	simm.s32 $_size__tile_overlayer_lowered;
	s6 =	simm.s32 $_tile_overlayer_lowered  }
0x9b: {  	s22 =	simm.s32 $0x1BFF;
	s21 =	sshll.u32 s6, $0x1;
	s3 =	sadd.s32 s4, s19  }
0x9c: {  	s7 =	simm.s32 $0x0;
	s20 =	sshll.u32 s5, $0x1;
	s5 =	sadd.s32 s21, s3  }
0x9d: {  	[timem:s7], [sflag:s22] =	dma.local [hbm:s5], s20  }
0x9e: {  	_ =	swait.ge [sflag:s22], s20  }
0x9f: {  	s4 =	ssub.s32 $0x0, s20;
	[sflag:s22] =	ssyncset.done $0x0  }
0xa0: {  	[sflag:s22] =	ssyncadd.s32 s4;
	_ =	sdelay $0x1  }
0xa1: {  	s23 =	simm.s32 $0x1B8B  }
0xa2: {  	_ =	swait.ge [sflag:s23], $0x1  }
0xa3: {  	[sflag:s23] =	ssyncset.done $0x0  }
0xa4: {  	s25 =	simm.s32 $0x1B8E;
	s24 =	sld [smem:$0x3FFE];
	[sflag:s23] =	ssyncadd.s32 $0xFFFFFFFF  }
0xa5: {  	s26 =	simm.s32 $execute0_lowered;
	[smem:$0x3FD2] =	sst s25  }
0xa6: {  	s5 =	sshll.u32 s26, $0x1;
	_ =	strace $0x80000049;
	[dreg:$0x1] =	wrdreg $0xFFFFFFFF  }
0xa7: {  	s28 =	simm.s32 $_size_execute0_lowered;
	s3 =	sadd.s32 s3, s5;
	[dreg:$0x0] =	wrdreg $0x0  }
0xa8: {  	s5 =	sshll.u32 s28, $0x1;
	[dreg:$0x2] =	wrdreg s3  }
0xa9: {  	[dreg:$0x3] =	wrdreg s5  }
0xaa: {  	[dreg:$0x4] =	wrdreg $0xC0  }
0xab: {  	_ =	task [dreg:s7], $0x5FFFF  }
0xac: {  	[dreg:$0x1] =	wrdreg $0xFFFFFFFF  }
0xad: {  	[dreg:$0x0] =	wrdreg $0x60  }
0xae: {  	[dreg:$0x2] =	wrdreg s24  }
0xaf: {  	[dreg:$0x3] =	wrdreg s2  }
0xb0: {  	[dreg:$0x4] =	wrdreg $0xA2000  }
0xb1: {  	[dreg:$0x5] =	wrdreg $0x9  }
0xb2: {  	_ =	task.clear_ibuf [dreg:s7], $0x6FFFF;
	_ =	strace $0x90000049  }
0xb3: {  	s29 =	simm.s32 $0x9;
	_ =	strace $0x8000004B  }
0xb4: {  	_ =	swait.ge [sflag:s29], $0x1  }
0xb5: {  	[sflag:s29] =	ssyncadd.s32 $0xFFFFFFFF  }
0xb6: {  	_ =	strace $0x9000004B  }
0xb7: {  	_ =	sfence  }
0xb8: {  	s30 =	sld [smem:$0x0];
	_ =	sdelay $0x2  }
0xb9: {  	s31 =	sshll.u32 s1, $0xD;
	s1 =	sshrl.u32 s1, $0x2  }
0xba: {  	s3 =	sand.u32 $0x4000, s31;
	s1 =	sadd.s32 s1, s30  }
0xbb: {  	s0 =	sor.u32 s3, s0;
	s1 =	sshll.u32 s1, $0x11  }
0xbc: {  	s0 =	sor.u32 s1, s0  }
0xbd: {  	s0 =	sadd.s32 $0x8F2B, s0  }
0xbe: {  	[sflag:s0] =	ssyncadd.remote.s32 $0x1  }
0xbf: {  	_ =	sfence.sel $0xFFFF  }
0xc0: {  	[dreg:$0x0] =	wrdreg $0xFFFFFFFF;
	(pc) =	sbr.abs _section_cstart, $3  }
0xc1: {  	[dreg:$0x1] =	wrdreg $0xFFFFFFFF  }
0xc2: {  	_ =	task.clear_ibuf [dreg:s7], $0x2FFFF;
	_ =	strace $0x9FFFFFFF  }
0xc3: {  	(tm) =	ssettm $0x7FFFFFFF  }
tec
execute0_lowered:
.L_overlay_start_1:
0x0: {  	(tag) =	ssettag $0x1  }
0x1: {  	s0 =	rddreg [dreg:$0x0]  }
0x2: {  	s2 =	rddreg [dreg:$0x2]  }
0x3: {  	s1 =	srdreg.scid;
	s3 =	simm.s32 $0x0;
	s15 =	stileid.u32  }
0x4: {  	s17 =	simm.s32 $0x4;
	s18 =	simm.s32 $0x200;
	s19 =	simm.s32 $0x1  }
0x5: {  	s20 =	simm.s32 $0x50;
	s28 =	simm.s32 $0x2;
	s7 =	smul.u32 $0x7D00, s15  }
0x6: {  	s29 =	simm.s32 $0x3;
	s30 =	simm.s32 $0x0;
	s8 =	smul.u32 $0x271000, s15  }
0x7: {  	s1 =	sand.u32 $0x1, s1;
	[smem:$0x7FF] =	sst s3;
	s11 =	smul.u32 $0x4E200, s15  }
0x8: {  	s10 =	sadd.s32 $0xEFB000, s0;
	s4 =	sadd.s32 $0xEDBC00, s0;
	s5 =	smul.u32 $0x27100, s1  }
0x9: {  	p0 =	sne.s32 s15, $0x0;
	s6 =	smul.u32 $0x7D000, s1;
	s1 =	ssub.s32 $0x2, s1  }
0xa: {  	_ =	strace $0x8000004A;
	s16 =	sshrl.u32 @!p0 s2, $0x3;
	s21 =	sshrl.u32 s1, $0x1  }
0xb: {  	s23 =	sshrl.u32 s8, $0x3;
	s0 =	sadd.s32 s5, s0;
	s14 =	sadd.s32 s7, s6  }
0xc: {  	s1 =	ssub.s32 s1, s21;
	s24 =	sadd.s32 s10, s23;
	s10 =	sadd.s32 s10, s11  }
0xd: {  	s21 =	simm.s32 $0x80;
	s23 =	simm.s32 $0x100;
	s22 =	sshrl.u32 s14, $0x3  }
0xe: {  	s26 =	sadd.s32 $0x4D800, s24;
	s8 =	sadd.s32 $0x2A00, s0;
	s9 =	smax.u32 s1, $0x1  }
0xf: {  	s12 =	sadd.s32 $0xA00, s10;
	s13 =	sadd.s32 $0x200, s14;
	s31 =	sadd.s32 $0x300, s14  }
0x10: {  	s14 =	sadd.s32 $0x1400, s10;
	s24 =	simm.s32 $0x5200;
	s5 =	sadd.s32 s4, s22  }
0x11: {  	[dreg:$0x5] =	wrdreg s26;
	s0 =	sshrl.u32 s31, $0x3;
	s22 =	simm.s32 $0x2A00  }
0x12: {  	s26 =	simm.s32 $0x7A00;
	s25 =	sadd.s32 $0xF80, s5;
	s11 =	sadd.s32 $0x20, s5  }
0x13: {  	s15 =	sadd.s32 s0, s4;
	[dreg:$0x4] =	wrdreg s25;
	s25 =	simm.s32 $0x180  }
.LBB2_1:
0x14: {  	s0 =	simm.s32 @!p0 $0x1C04;
	s1 =	rddreg [dreg:$0x1]  }
0x15: {  	[spmem:s16], [sflag:s0] =	dma.local @!p0 [hbm:s1], $0x27100  }
0x16: {  	s0 =	simm.s32 @!p0 $0x4  }
0x17: {  	_ =	swait.ge @!p0 [sflag:s0], $0x27100  }
0x18: {  	[sflag:s0] =	ssyncset.done @!p0 $0x0  }
0x19: {  	[sflag:s0] =	ssyncadd.s32 @!p0 $0xFFFD8F00  }
0x1a: {  	[bflag:$0x0] =	sbarrier.arrive $0xFFFF  }
0x1b: {  	[tilespmem:s3], [sflag:$0x4] =	stream.linear.gather [hbm4b:s5+s3], $0x100, $0x38;
	[tilespmem:$0x1DA80] =	vst v63  }
0x1c: {  	_ =	swait.ge [sflag:s17], $0x100  }
0x1d: {  	[sflag:s17] =	ssyncset.done $0x0  }
0x1e: {  	[sflag:s17] =	ssyncadd.s32 $0xFFFFFF00  }
0x1f: {  	[tilespmem:s18], [sflag:$0x1] =	stream.linear.gather [hbm4b:s10+s3], $0x5000, $0x38;
	[tilespmem:$0x1DA80] =	vst v63  }
0x20: {  	_ =	swait.ge [sflag:s19], $0x5000  }
0x21: {  	[sflag:s19] =	ssyncset.done $0x0  }
0x22: {  	[sflag:s19] =	ssyncadd.s32 $0xFFFFB000  }
0x23: {  	[spmem:s2] =	stream.indirect.scatter.add.f32 [tilespmem:s18], [sflag:$0x2], $0x80, s3, s20, $0xb8;
	[tilespmem:$0x1DA80] =	vst v63  }
0x24: {  	_ = 	snop  }
0x25: {  	[spmem:s2] =	stream.indirect.scatter.add.f32 [tilespmem:s22], [sflag:$0x2], $0x80, s21, s20, $0xb8;
	[tilespmem:$0x1DA80] =	vst v63  }
0x26: {  	_ = 	snop  }
0x27: {  	[tilespmem:s23], [sflag:$0x4] =	stream.linear.gather [hbm4b:s11+s3], $0x100, $0x38;
	[tilespmem:$0x1DA80] =	vst v63  }
0x28: {  	_ =	swait.ge [sflag:s17], $0x100  }
0x29: {  	[sflag:s17] =	ssyncset.done $0x0  }
0x2a: {  	[sflag:s17] =	ssyncadd.s32 $0xFFFFFF00  }
0x2b: {  	[tilespmem:s24], [sflag:$0x1] =	stream.linear.gather [hbm4b:s12+s3], $0x5000, $0x38;
	[tilespmem:$0x1DA80] =	vst v63  }
0x2c: {  	_ =	swait.ge [sflag:s19], $0x5000  }
0x2d: {  	[sflag:s19] =	ssyncset.done $0x0  }
0x2e: {  	[sflag:s19] =	ssyncadd.s32 $0xFFFFB000  }
0x2f: {  	[spmem:s2] =	stream.indirect.scatter.add.f32 [tilespmem:s24], [sflag:$0x3], $0x80, s23, s20, $0xb8;
	[tilespmem:$0x1DA80] =	vst v63  }
0x30: {  	_ = 	snop  }
0x31: {  	[spmem:s2] =	stream.indirect.scatter.add.f32 [tilespmem:s26], [sflag:$0x3], $0x80, s25, s20, $0xb8;
	[tilespmem:$0x1DA80] =	vst v63  }
0x32: {  	_ =	swait.ge [sflag:s28], $0x2800  }
0x33: {  	[sflag:s28] =	ssyncset.done $0x0  }
0x34: {  	[sflag:s28] =	ssyncadd.s32 $0xFFFFD800  }
0x35: {  	_ =	swait.ge [sflag:s28], $0x2800  }
0x36: {  	s1 =	sshrl.u32 s13, $0x3;
	[sflag:s28] =	ssyncset.done $0x0  }
0x37: {  	s0 =	sadd.s32 s4, s1;
	[sflag:s28] =	ssyncadd.s32 $0xFFFFD800  }
0x38: {  	[tilespmem:s3], [sflag:$0x4] =	stream.linear.gather [hbm4b:s0+s3], $0x100, $0x38;
	[tilespmem:$0x1DA80] =	vst v63  }
0x39: {  	_ =	swait.ge [sflag:s17], $0x100  }
0x3a: {  	[sflag:s17] =	ssyncset.done $0x0  }
0x3b: {  	[sflag:s17] =	ssyncadd.s32 $0xFFFFFF00  }
0x3c: {  	[tilespmem:s18], [sflag:$0x1] =	stream.linear.gather [hbm4b:s14+s3], $0x5000, $0x38;
	[tilespmem:$0x1DA80] =	vst v63  }
0x3d: {  	_ =	swait.ge [sflag:s19], $0x5000  }
0x3e: {  	[sflag:s19] =	ssyncset.done $0x0  }
0x3f: {  	[sflag:s19] =	ssyncadd.s32 $0xFFFFB000  }
0x40: {  	[spmem:s2] =	stream.indirect.scatter.add.f32 [tilespmem:s18], [sflag:$0x2], $0x80, s3, s20, $0xb8;
	[tilespmem:$0x1DA80] =	vst v63  }
0x41: {  	_ = 	snop  }
0x42: {  	[spmem:s2] =	stream.indirect.scatter.add.f32 [tilespmem:s22], [sflag:$0x2], $0x80, s21, s20, $0xb8;
	[tilespmem:$0x1DA80] =	vst v63  }
0x43: {  	_ =	swait.ge [sflag:s29], $0x2800  }
0x44: {  	[sflag:s29] =	ssyncset.done $0x0  }
0x45: {  	[sflag:s29] =	ssyncadd.s32 $0xFFFFD800  }
0x46: {  	_ =	swait.ge [sflag:s29], $0x2800  }
0x47: {  	[sflag:s29] =	ssyncset.done $0x0  }
0x48: {  	s6 =	sadd.s32 $0x0, s15;
	[sflag:s29] =	ssyncadd.s32 $0xFFFFD800  }
0x49: {  	[tilespmem:s23], [sflag:$0x4] =	stream.linear.gather [hbm4b:s6+s3], $0x100, $0x38;
	[tilespmem:$0x1DA80] =	vst v63  }
0x4a: {  	_ =	swait.ge [sflag:s17], $0x100  }
0x4b: {  	[sflag:s17] =	ssyncset.done $0x0  }
0x4c: {  	s7 =	sadd.s32 $0xA00, s14;
	[sflag:s17] =	ssyncadd.s32 $0xFFFFFF00  }
0x4d: {  	[tilespmem:s24], [sflag:$0x1] =	stream.linear.gather [hbm4b:s7+s3], $0x5000, $0x38;
	[tilespmem:$0x1DA80] =	vst v63  }
0x4e: {  	_ =	swait.ge [sflag:s19], $0x5000  }
0x4f: {  	s31 =	simm.s32 $0x40;
	[sflag:s19] =	ssyncset.done $0x0  }
0x50: {  	s1 =	sadd.s32 $0x1400, s14;
	s0 =	sadd.s32 $0x200, s13;
	[sflag:s19] =	ssyncadd.s32 $0xFFFFB000  }
0x51: {  	[spmem:s2] =	stream.indirect.scatter.add.f32 [tilespmem:s24], [sflag:$0x3], $0x80, s23, s20, $0xb8;
	[tilespmem:$0x1DA80] =	vst v63  }
.LBB2_2:
0x52: {  	[spmem:s2] =	stream.indirect.scatter.add.f32 [tilespmem:s26], [sflag:$0x3], $0x80, s25, s20, $0xb8;
	[tilespmem:$0x1DA80] =	vst v63  }
0x53: {  	s6 =	smov.u32 s31  }
0x54: {  	p1 =	sne.s32 s31, $0xF00;
	s31 =	sadd.s32 $0x40, s31;
	_ =	swait.ge [sflag:s28], $0x2800  }
0x55: {  	[sflag:s28] =	ssyncset.done $0x0  }
0x56: {  	[sflag:s28] =	ssyncadd.s32 $0xFFFFD800  }
0x57: {  	_ =	swait.ge [sflag:s28], $0x2800  }
0x58: {  	s7 =	sshrl.u32 s0, $0x3;
	[sflag:s28] =	ssyncset.done $0x0  }
0x59: {  	s7 =	sadd.s32 s4, s7;
	[sflag:s28] =	ssyncadd.s32 $0xFFFFD800  }
0x5a: {  	[tilespmem:s3], [sflag:$0x4] =	stream.linear.gather [hbm4b:s7+s3], $0x100, $0x38;
	[tilespmem:$0x1DA80] =	vst v63  }
0x5b: {  	_ =	swait.ge [sflag:s17], $0x100  }
0x5c: {  	[sflag:s17] =	ssyncset.done $0x0  }
0x5d: {  	[sflag:s17] =	ssyncadd.s32 $0xFFFFFF00  }
0x5e: {  	[tilespmem:s18], [sflag:$0x1] =	stream.linear.gather [hbm4b:s1+s3], $0x5000, $0x38;
	[tilespmem:$0x1DA80] =	vst v63  }
0x5f: {  	_ =	swait.ge [sflag:s19], $0x5000  }
0x60: {  	[sflag:s19] =	ssyncset.done $0x0  }
0x61: {  	[sflag:s19] =	ssyncadd.s32 $0xFFFFB000  }
0x62: {  	[spmem:s2] =	stream.indirect.scatter.add.f32 [tilespmem:s18], [sflag:$0x2], $0x80, s3, s20, $0xb8;
	[tilespmem:$0x1DA80] =	vst v63  }
0x63: {  	_ = 	snop  }
0x64: {  	[spmem:s2] =	stream.indirect.scatter.add.f32 [tilespmem:s22], [sflag:$0x2], $0x80, s21, s20, $0xb8;
	[tilespmem:$0x1DA80] =	vst v63  }
0x65: {  	_ =	swait.ge [sflag:s29], $0x2800  }
0x66: {  	[sflag:s29] =	ssyncset.done $0x0  }
0x67: {  	[sflag:s29] =	ssyncadd.s32 $0xFFFFD800  }
0x68: {  	_ =	swait.ge [sflag:s29], $0x2800  }
0x69: {  	[sflag:s29] =	ssyncset.done $0x0  }
0x6a: {  	s6 =	sadd.s32 s6, s15;
	[sflag:s29] =	ssyncadd.s32 $0xFFFFD800  }
0x6b: {  	[tilespmem:s23], [sflag:$0x4] =	stream.linear.gather [hbm4b:s6+s3], $0x100, $0x38;
	[tilespmem:$0x1DA80] =	vst v63  }
0x6c: {  	_ =	swait.ge [sflag:s17], $0x100  }
0x6d: {  	[sflag:s17] =	ssyncset.done $0x0  }
0x6e: {  	s6 =	sadd.s32 $0xA00, s1;
	[sflag:s17] =	ssyncadd.s32 $0xFFFFFF00  }
0x6f: {  	[tilespmem:s24], [sflag:$0x1] =	stream.linear.gather [hbm4b:s6+s3], $0x5000, $0x38;
	[tilespmem:$0x1DA80] =	vst v63  }
.Ltmp0:
0x70: {  	_ =	swait.ge [sflag:s19], $0x5000;
	(pc) =	sbr.rel @p1 .LBB2_2-.Ltmp0, $4  }
0x71: {  	[sflag:s19] =	ssyncset.done $0x0  }
0x72: {  	[sflag:s19] =	ssyncadd.s32 $0xFFFFB000  }
0x73: {  	[spmem:s2] =	stream.indirect.scatter.add.f32 [tilespmem:s24], [sflag:$0x3], $0x80, s23, s20, $0xb8;
	[tilespmem:$0x1DA80] =	vst v63  }
0x74: {  	s0 =	sadd.s32 $0x200, s0;
	s1 =	sadd.s32 $0x1400, s1  }
0x75: {  	[spmem:s2] =	stream.indirect.scatter.add.f32 [tilespmem:s26], [sflag:$0x3], $0x80, s25, s20, $0xb8;
	[tilespmem:$0x1DA80] =	vst v63  }
0x76: {  	_ =	swait.ge [sflag:s28], $0x2800  }
0x77: {  	[sflag:s28] =	ssyncset.done $0x0  }
0x78: {  	[sflag:s28] =	ssyncadd.s32 $0xFFFFD800  }
0x79: {  	_ =	swait.ge [sflag:s28], $0x2800  }
0x7a: {  	[sflag:s28] =	ssyncset.done $0x0  }
0x7b: {  	s0 =	rddreg [dreg:$0x4];
	[sflag:s28] =	ssyncadd.s32 $0xFFFFD800  }
0x7c: {  	[tilespmem:s3], [sflag:$0x4] =	stream.linear.gather [hbm4b:s0+s3], $0x100, $0x38;
	[tilespmem:$0x1DA80] =	vst v63  }
0x7d: {  	_ =	swait.ge [sflag:s17], $0x100  }
0x7e: {  	[sflag:s17] =	ssyncset.done $0x0  }
0x7f: {  	s31 =	rddreg [dreg:$0x5];
	[sflag:s17] =	ssyncadd.s32 $0xFFFFFF00  }
0x80: {  	[tilespmem:s18], [sflag:$0x1] =	stream.linear.gather [hbm4b:s31+s3], $0x5000, $0x38;
	[tilespmem:$0x1DA80] =	vst v63  }
0x81: {  	_ =	swait.ge [sflag:s19], $0x5000  }
0x82: {  	[sflag:s19] =	ssyncset.done $0x0  }
0x83: {  	[sflag:s19] =	ssyncadd.s32 $0xFFFFB000  }
0x84: {  	[spmem:s2] =	stream.indirect.scatter.add.f32 [tilespmem:s18], [sflag:$0x2], $0x80, s3, s20, $0xb8;
	[tilespmem:$0x1DA80] =	vst v63  }
0x85: {  	_ = 	snop  }
0x86: {  	[spmem:s2] =	stream.indirect.scatter.add.f32 [tilespmem:s22], [sflag:$0x2], $0x80, s21, s20, $0xb8;
	[tilespmem:$0x1DA80] =	vst v63  }
0x87: {  	_ =	swait.ge [sflag:s28], $0x2800  }
0x88: {  	[sflag:s28] =	ssyncset.done $0x0  }
0x89: {  	[sflag:s28] =	ssyncadd.s32 $0xFFFFD800  }
0x8a: {  	_ =	swait.ge [sflag:s28], $0x2800  }
0x8b: {  	[sflag:s28] =	ssyncset.done $0x0  }
0x8c: {  	[sflag:s28] =	ssyncadd.s32 $0xFFFFD800  }
0x8d: {  	_ =	swait.ge [sflag:s29], $0x2800  }
0x8e: {  	[sflag:s29] =	ssyncset.done $0x0  }
0x8f: {  	[sflag:s29] =	ssyncadd.s32 $0xFFFFD800  }
0x90: {  	_ =	swait.ge [sflag:s29], $0x2800  }
0x91: {  	[sflag:s29] =	ssyncset.done $0x0  }
0x92: {  	s30 =	sadd.s32 $0x1, s30;
	[sflag:s29] =	ssyncadd.s32 $0xFFFFD800  }
0x93: {  	p1 =	sne.s32 s30, s9;
	s0 =	simm.s32 @!p0 $0x1C04;
	[bflag:$0x0] =	sbarrier.arrive $0xFFFF  }
0x94: {  	[hbm:s8], [sflag:s0] =	dma.local @!p0 [spmem:s16], $0x27100  }
.Ltmp1:
0x95: {  	_ = 	snop;
	(pc) =	sbr.rel @p1 .LBB2_1-.Ltmp1, $4  }
0x96: {  	s0 =	simm.s32 @!p0 $0x4  }
0x97: {  	_ =	swait.ge @!p0 [sflag:s0], $0x27100  }
0x98: {  	[sflag:s0] =	ssyncset.done @!p0 $0x0  }
0x99: {  	[sflag:s0] =	ssyncadd.s32 @!p0 $0xFFFD8F00  }
0x9a: {  	_ =	sfence.sel $0x180000  }
0x9b: {  	[bflag:$0x0] =	sbarrier.arrive $0xFFFF  }
0x9c: {  	_ =	strace $0x9000004A  }
0x9d: {  	[bflag:$0x2] =	sbarrier.arrive $0xFFFF  }
0x9e: {  	s0 =	rddreg [dreg:$0x3]  }
0x9f: {  	s0 =	sadd.s32 @!p0 $0x100000, s0  }
0xa0: {  	[sflag:s0] =	ssyncadd.tile.s32 @!p0 $0x1;
	_ =	shalt  }
.Lfunc_end2:
_tile_overlayer_lowered:
.L_overlay_start_2:
0xa1: {  	(tag) =	ssettag $0x2  }
0xa2: {  	s0 =	rddreg [dreg:$0x0];
	s2 =	stileid.u32  }
0xa3: {  	s1 =	rddreg [dreg:$0x1];
	p0 =	sne.s32 s2, $0x0  }
0xa4: {  	s3 =	rddreg [dreg:$0x2];
	[bflag:$0x3] =	sbarrier.arrive $0xFFFF;
	s2 =	simm.s32 @!p0 $0x1C04  }
0xa5: {  	[timem:s3], [sflag:s2] =	dma.local @!p0 [hbm:s0], s1  }
0xa6: {  	s0 =	simm.s32 @!p0 $0x4  }
0xa7: {  	_ =	swait.ge @!p0 [sflag:s0], s1  }
0xa8: {  	s1 =	ssub.s32 @!p0 $0x0, s1;
	[sflag:s0] =	ssyncset.done @!p0 $0x0  }
0xa9: {  	[sflag:s0] =	ssyncadd.s32 @!p0 s1  }
0xaa: {  	[bflag:$0x3] =	sbarrier.arrive $0xFFFF  }
0xab: {  	_ =	shalt  }

// kernel: kernel.7.cloned.1.call-start
scs
__scs_entry_jumppad:
0x0: {  	(pc) =	sbr.rel $0x88, $3  }
0x1: {  	(tag) =	ssettag $0x0;
	lr =	simm.s32 $0x1  }
0x2: {  	[smem:$0x3F97] =	sst lr;
	_ =	strace $0xD0000000  }
0x3: {  	_ = 	snop  }
0x4: {  	_ = 	snop  }
0x5: {  	_ = 	snop  }
0x6: {  	_ = 	snop  }
0x7: {  	_ = 	snop  }
__scs_overlays_trampoline_lowered:
0x8: {  	[smem:$0x3FA6] =	sst s0  }
0x9: {  	[smem:$0x3FA7] =	sst s1  }
0xa: {  	[smem:$0x3FA8] =	sst s2  }
0xb: {  	[smem:$0x3FA9] =	sst s3  }
0xc: {  	[smem:$0x3FAA] =	sst s4  }
0xd: {  	[smem:$0x3FAB] =	sst s5  }
0xe: {  	[smem:$0x3FAC] =	sst s6  }
0xf: {  	[smem:$0x3FAD] =	sst s7  }
0x10: {  	[smem:$0x3FAE] =	sst s8  }
0x11: {  	[smem:$0x3FAF] =	sst s9;
	s0 =	simm.s32 @!p0 $0x0  }
0x12: {  	s1 =	sld [smem:$0x3F95];
	s0 =	simm.s32 @p0 $0x1  }
0x13: {  	[smem:$0x3FB0] =	sst s0;
	s0 =	simm.s32 @!p1 $0x0  }
0x14: {  	s2 =	sld [smem:$0x3F94];
	s0 =	simm.s32 @p1 $0x1  }
0x15: {  	[smem:$0x3FB1] =	sst s0;
	s0 =	simm.s32 @!p2 $0x0  }
0x16: {  	s3 =	sld [smem:$0x3FDB];
	s0 =	simm.s32 @p2 $0x1  }
0x17: {  	s4 =	simm.s32 $0x1BF5;
	[smem:$0x3FB3] =	sst s0  }
0x18: {  	s0 =	sld [smem:$0x3F96];
	_ =	swait.ge [sflag:s4], $0x0  }
0x19: {  	s7 =	sld [smem:$0x3F97]  }
0x1a: {  	s8 =	sadd.s32 $0xFFFFE003, lr  }
0x1b: {  	s9 =	sadd.s32 $0xFFFFFEF7, lr;
	s5 =	simm.s32 $0xFFFFFFFF;
	p2 =	slt.u32 s8, $0xFFFFF086  }
0x1c: {  	p1 =	slt.u32 s9, $0xF7A;
	s5 =	simm.s32 @!p2 $0x0  }
0x1d: {  	s5 =	simm.s32 @p1 $0x1;
	p0 =	seq.s32 s7, s2  }
0x1e: {  	s7 =	smul.u32 @!p0 $0xF7A, s2;
	p2 =	seq.s32 @!p0 s5, $0x0  }
0x1f: {  	s9 =	smul.u32 $0xF7A, s1;
	s8 =	simm.s32 @!p0 $0x1BF5;
	p2 =	por !p2, p0  }
0x20: {  	[sflag:s8] =	ssyncset.s32 @!p0 $0xFFFFF086;
	s6 =	sadd.s32 @!p0 s3, s7;
	s7 =	simm.s32 @!p0 $0x108  }
0x21: {  	s3 =	sadd.s32 s3, s9;
	s6 =	sadd.s32 @!p0 $0x88, s6;
	s7 =	simm.s32 @p2 $0x1082  }
0x22: {  	[simem:s7], [sflag:s8] =	dma.local @!p0 [hbm:s6], $0xF7A  }
0x23: {  	s9 =	sor.u32 $0xD0000000, s2;
	s6 =	simm.s32 $0x108;
	_ =	swait.ge @!p0 [sflag:s8], $0x0  }
0x24: {  	s3 =	sadd.s32 $0x88, s3;
	s6 =	simm.s32 @!p1 $0x1082;
	[sflag:s4] =	ssyncset.s32 $0xFFFFF086  }
0x25: {  	[simem:s6], [sflag:s4] =	dma.local [hbm:s3], $0xF7A  }
0x26: {  	[smem:$0x3F97] =	sst s1;
	(tag) =	ssettag s2;
	_ =	strace s9  }
0x27: {  	s1 =	sld [smem:$0x3FA7]  }
0x28: {  	s2 =	sld [smem:$0x3FA8]  }
0x29: {  	s4 =	sld [smem:$0x3FAA]  }
0x2a: {  	p0 =	seq.s32 s5, $0x0;
	s5 =	sld [smem:$0x3FAB]  }
0x2b: {  	s6 =	sld [smem:$0x3FAC]  }
0x2c: {  	s7 =	sld [smem:$0x3FAD]  }
0x2d: {  	s3 =	simm.s32 $0x108;
	s8 =	sld [smem:$0x3FAE]  }
0x2e: {  	s3 =	simm.s32 @!p0 $0x1082;
	s9 =	sld [smem:$0x3FAF]  }
0x2f: {  	lr =	sadd.s32 s0, s3;
	s0 =	sld [smem:$0x3FA6]  }
0x30: {  	s3 =	sld [smem:$0x3FA9]  }
0x31: {  	[smem:$0x3FB2] =	sst s10  }
0x32: {  	s10 =	sld [smem:$0x3FB0];
	_ =	sdelay $0x3  }
0x33: {  	p0 =	seq.s32 s10, $0x1;
	s10 =	sld [smem:$0x3FB2];
	_ =	sdelay $0x3  }
0x34: {  	[smem:$0x3FB2] =	sst s10  }
0x35: {  	s10 =	sld [smem:$0x3FB1];
	_ =	sdelay $0x3  }
0x36: {  	p1 =	seq.s32 s10, $0x1;
	s10 =	sld [smem:$0x3FB2];
	_ =	sdelay $0x3  }
0x37: {  	[smem:$0x3FB2] =	sst s10  }
0x38: {  	s10 =	sld [smem:$0x3FB3]  }
0x39: {  	_ = 	snop;
	(pc) =	sbr.ind lr, $3  }
0x3a: {  	_ = 	snop  }
0x3b: {  	_ = 	snop  }
0x3c: {  	p2 =	seq.s32 s10, $0x1;
	s10 =	sld [smem:$0x3FB2]  }
0x3d: {  	_ =	shalt  }
0x3e: {  	_ =	shalt  }
0x3f: {  	_ =	shalt  }
0x40: {  	_ =	shalt  }
0x41: {  	_ =	shalt  }
0x42: {  	_ =	shalt  }
0x43: {  	_ =	shalt  }
0x44: {  	_ =	shalt  }
0x45: {  	_ =	shalt  }
0x46: {  	_ =	shalt  }
0x47: {  	_ =	shalt  }
0x48: {  	_ =	shalt  }
0x49: {  	_ =	shalt  }
0x4a: {  	_ =	shalt  }
0x4b: {  	_ =	shalt  }
0x4c: {  	_ =	shalt  }
0x4d: {  	_ =	shalt  }
0x4e: {  	_ =	shalt  }
0x4f: {  	_ =	shalt  }
0x50: {  	_ =	shalt  }
0x51: {  	_ =	shalt  }
0x52: {  	_ =	shalt  }
0x53: {  	_ =	shalt  }
0x54: {  	_ =	shalt  }
0x55: {  	_ =	shalt  }
0x56: {  	_ =	shalt  }
0x57: {  	_ =	shalt  }
0x58: {  	_ =	shalt  }
0x59: {  	_ =	shalt  }
0x5a: {  	_ =	shalt  }
0x5b: {  	_ =	shalt  }
0x5c: {  	_ =	shalt  }
0x5d: {  	_ =	shalt  }
0x5e: {  	_ =	shalt  }
0x5f: {  	_ =	shalt  }
0x60: {  	_ =	shalt  }
0x61: {  	_ =	shalt  }
0x62: {  	_ =	shalt  }
0x63: {  	_ =	shalt  }
0x64: {  	_ =	shalt  }
0x65: {  	_ =	shalt  }
0x66: {  	_ =	shalt  }
0x67: {  	_ =	shalt  }
0x68: {  	_ =	shalt  }
0x69: {  	_ =	shalt  }
0x6a: {  	_ =	shalt  }
0x6b: {  	_ =	shalt  }
0x6c: {  	_ =	shalt  }
0x6d: {  	_ =	shalt  }
0x6e: {  	_ =	shalt  }
0x6f: {  	_ =	shalt  }
0x70: {  	_ =	shalt  }
0x71: {  	_ =	shalt  }
0x72: {  	_ =	shalt  }
0x73: {  	_ =	shalt  }
0x74: {  	_ =	shalt  }
0x75: {  	_ =	shalt  }
0x76: {  	_ =	shalt  }
0x77: {  	_ =	shalt  }
0x78: {  	_ =	shalt  }
0x79: {  	_ =	shalt  }
0x7a: {  	_ =	shalt  }
0x7b: {  	_ =	shalt  }
0x7c: {  	_ =	shalt  }
0x7d: {  	_ =	shalt  }
0x7e: {  	_ =	shalt  }
0x7f: {  	_ =	shalt  }
0x80: {  	_ =	shalt  }
0x81: {  	_ =	shalt  }
0x82: {  	_ =	shalt  }
0x83: {  	_ =	shalt  }
0x84: {  	_ =	shalt  }
0x85: {  	_ =	shalt  }
0x86: {  	_ =	shalt  }
0x87: {  	_ =	shalt  }
.Lfunc_end0:
.L_simem_size_0:
called_computation_lowered:
.L_overlay_start_0:
0x88: {  	s2 =	sld [smem:$0x3FD9]  }
0x89: {  	s3 =	sld [smem:$0x3FFE];
	_ =	sdelay $0x1  }
0x8a: {  	s1 =	srdreg.scid  }
0x8b: {  	s0 =	sand.u32 $0x1, s1  }
0x8c: {  	s17 =	sshll.u32 s0, $0xA;
	s2 =	sadd.s32 s3, s2  }
0x8d: {  	s2 =	sadd.s32 s2, s17  }
0x8e: {  	[smem:$0x3FBE] =	sst s2  }
0x8f: {  	_ = 	snop  }
0x90: {  	s2 =	sld [smem:$0x3FD0];
	(tm) =	ssettm $0x1  }
0x91: {  	s18 =	sld [smem:$0x3FFB];
	_ =	sdelay $0x3  }
0x92: {  	_ =	strace s18  }
0x93: {  	s3 =	sld [smem:$0x3FFC];
	_ =	sdelay $0x3  }
0x94: {  	_ =	strace s3  }
0x95: {  	s3 =	sld [smem:$0x3FFD];
	_ =	sdelay $0x3  }
0x96: {  	_ =	strace s3  }
0x97: {  	_ =	strace $0x8FFFFFFF  }
0x98: {  	s19 =	sld [smem:$0x3FDB];
	_ =	sdelay $0x1  }
0x99: {  	s4 =	simm.s32 $_scs_section_size  }
0x9a: {  	s5 =	simm.s32 $_size__tile_overlayer_lowered;
	s6 =	simm.s32 $_tile_overlayer_lowered  }
0x9b: {  	s22 =	simm.s32 $0x1BFF;
	s21 =	sshll.u32 s6, $0x1;
	s3 =	sadd.s32 s4, s19  }
0x9c: {  	s7 =	simm.s32 $0x0;
	s20 =	sshll.u32 s5, $0x1;
	s5 =	sadd.s32 s21, s3  }
0x9d: {  	[timem:s7], [sflag:s22] =	dma.local [hbm:s5], s20  }
0x9e: {  	_ =	swait.ge [sflag:s22], s20  }
0x9f: {  	s4 =	ssub.s32 $0x0, s20;
	[sflag:s22] =	ssyncset.done $0x0  }
0xa0: {  	[sflag:s22] =	ssyncadd.s32 s4;
	_ =	sdelay $0x1  }
0xa1: {  	s23 =	simm.s32 $0x1B8B  }
0xa2: {  	_ =	swait.ge [sflag:s23], $0x1  }
0xa3: {  	[sflag:s23] =	ssyncset.done $0x0  }
0xa4: {  	s25 =	simm.s32 $0x1B8E;
	s24 =	sld [smem:$0x3FFE];
	[sflag:s23] =	ssyncadd.s32 $0xFFFFFFFF  }
0xa5: {  	s26 =	simm.s32 $execute0_lowered;
	[smem:$0x3FD2] =	sst s25  }
0xa6: {  	s5 =	sshll.u32 s26, $0x1;
	_ =	strace $0x80000046;
	[dreg:$0x1] =	wrdreg $0xFFFFFFFF  }
0xa7: {  	s28 =	simm.s32 $_size_execute0_lowered;
	s3 =	sadd.s32 s3, s5;
	[dreg:$0x0] =	wrdreg $0x0  }
0xa8: {  	s5 =	sshll.u32 s28, $0x1;
	[dreg:$0x2] =	wrdreg s3  }
0xa9: {  	[dreg:$0x3] =	wrdreg s5  }
0xaa: {  	[dreg:$0x4] =	wrdreg $0xC0  }
0xab: {  	_ =	task [dreg:s7], $0x5FFFF  }
0xac: {  	[dreg:$0x1] =	wrdreg $0xFFFFFFFF  }
0xad: {  	[dreg:$0x0] =	wrdreg $0x60  }
0xae: {  	[dreg:$0x2] =	wrdreg s2  }
0xaf: {  	[dreg:$0x3] =	wrdreg s24  }
0xb0: {  	[dreg:$0x4] =	wrdreg $0x9  }
0xb1: {  	_ =	task.clear_ibuf [dreg:s7], $0x5FFFF;
	_ =	strace $0x90000046  }
0xb2: {  	s29 =	simm.s32 $0x9;
	_ =	strace $0x80000048  }
0xb3: {  	_ =	swait.ge [sflag:s29], $0x1  }
0xb4: {  	[sflag:s29] =	ssyncadd.s32 $0xFFFFFFFF  }
0xb5: {  	_ =	strace $0x90000048  }
0xb6: {  	_ =	sfence  }
0xb7: {  	s30 =	sld [smem:$0x0];
	_ =	sdelay $0x2  }
0xb8: {  	s31 =	sshll.u32 s1, $0xD;
	s1 =	sshrl.u32 s1, $0x2  }
0xb9: {  	s3 =	sand.u32 $0x4000, s31;
	s1 =	sadd.s32 s1, s30  }
0xba: {  	s0 =	sor.u32 s3, s0;
	s1 =	sshll.u32 s1, $0x11  }
0xbb: {  	s0 =	sor.u32 s1, s0  }
0xbc: {  	s0 =	sadd.s32 $0x8F2B, s0  }
0xbd: {  	[sflag:s0] =	ssyncadd.remote.s32 $0x1  }
0xbe: {  	_ =	sfence.sel $0xFFFF  }
0xbf: {  	[dreg:$0x0] =	wrdreg $0xFFFFFFFF;
	(pc) =	sbr.abs _section_cstart, $3  }
0xc0: {  	[dreg:$0x1] =	wrdreg $0xFFFFFFFF  }
0xc1: {  	_ =	task.clear_ibuf [dreg:s7], $0x2FFFF;
	_ =	strace $0x9FFFFFFF  }
0xc2: {  	(tm) =	ssettm $0x7FFFFFFF  }
0xc3: {  	_ =	shalt  }
tec
execute0_lowered:
.L_overlay_start_1:
0x0: {  	(tag) =	ssettag $0x1  }
0x1: {  	s2 =	rddreg [dreg:$0x0];
	s0 =	srdreg.scid  }
0x2: {  	s1 =	rddreg [dreg:$0x1];
	s4 =	stileid.u32;
	s3 =	simm.s32 $0x0  }
0x3: {  	s11 =	simm.s32 $0x3;
	s12 =	simm.s32 $0x50;
	s13 =	simm.s32 $0x80  }
0x4: {  	s14 =	simm.s32 $0x3000;
	s15 =	simm.s32 $0x100;
	s16 =	simm.s32 $0x5800  }
0x5: {  	s17 =	simm.s32 $0x180;
	s18 =	simm.s32 $0x8000;
	s19 =	simm.s32 $0x200  }
0x6: {  	s20 =	simm.s32 $0xA800;
	s28 =	simm.s32 $0x400;
	s7 =	smul.u32 $0xC800, s4  }
0x7: {  	s29 =	simm.s32 $0x14800;
	s0 =	sand.u32 $0x1, s0;
	s9 =	smul.u32 $0x271000, s4  }
0x8: {  	s30 =	simm.s32 $0x480;
	s31 =	simm.s32 $0x17000;
	s6 =	smul.u32 $0xC8000, s0  }
0x9: {  	[smem:$0x7FF] =	sst s3;
	s8 =	smul.u32 $0x2710000, s0;
	s0 =	ssub.s32 $0x2, s0  }
0xa: {  	s4 =	sadd.s32 $0x2A00, s1;
	s5 =	sadd.s32 $0x35C00, s1;
	s21 =	sshrl.u32 s0, $0x1  }
0xb: {  	s1 =	simm.s32 $0x2;
	_ =	strace $0x80000047;
	s0 =	ssub.s32 s0, s21  }
0xc: {  	s6 =	sadd.s32 s7, s6;
	s22 =	sadd.s32 s8, s9;
	s21 =	simm.s32 $0x280  }
0xd: {  	s7 =	simm.s32 $0x800;
	s9 =	simm.s32 $0x0;
	s0 =	smax.u32 s0, $0x1  }
0xe: {  	s23 =	sshrl.u32 s6, $0x3;
	s24 =	sshrl.u32 s22, $0x3;
	s26 =	sadd.s32 $0x19000, s22  }
0xf: {  	s22 =	simm.s32 $0xD000;
	[dreg:$0x3] =	wrdreg s0;
	s0 =	sadd.s32 s4, s23  }
0x10: {  	s25 =	sadd.s32 s5, s24;
	[dreg:$0x6] =	wrdreg s26;
	s23 =	simm.s32 $0x300  }
0x11: {  	s24 =	simm.s32 $0xF800;
	s26 =	simm.s32 $0x12000;
	[dreg:$0x4] =	wrdreg s0  }
0x12: {  	[dreg:$0x5] =	wrdreg s25;
	s25 =	simm.s32 $0x380;
	s0 =	simm.s32 $0x1  }
.LBB2_1:
0x13: {  	[dreg:$0x7] =	wrdreg s9  }
0x14: {  	s8 =	rddreg [dreg:$0x4]  }
0x15: {  	[tilespmem:s3], [sflag:$0x3] =	stream.linear.gather [hbm4b:s8+s3], $0x500, $0x38;
	[tilespmem:$0x19800] =	vst v63  }
0x16: {  	_ =	swait.ge [sflag:s11], $0x500  }
0x17: {  	[sflag:s11] =	ssyncset.done $0x0  }
0x18: {  	[sflag:s11] =	ssyncadd.s32 $0xFFFFFB00  }
0x19: {  	[tilespmem:s7], [sflag:$0x1] =	stream.indirect.gather [hbm4b:s2+s12], $0x80, s3, s12, $0xb8;
	[tilespmem:$0x19800] =	vst v63  }
0x1a: {  	_ = 	snop  }
0x1b: {  	[tilespmem:s14], [sflag:$0x1] =	stream.indirect.gather [hbm4b:s2+s12], $0x80, s13, s12, $0xb8;
	[tilespmem:$0x19800] =	vst v63  }
0x1c: {  	_ = 	snop  }
0x1d: {  	[tilespmem:s16], [sflag:$0x1] =	stream.indirect.gather [hbm4b:s2+s12], $0x80, s15, s12, $0xb8;
	[tilespmem:$0x19800] =	vst v63  }
0x1e: {  	_ = 	snop  }
0x1f: {  	[tilespmem:s18], [sflag:$0x1] =	stream.indirect.gather [hbm4b:s2+s12], $0x80, s17, s12, $0xb8;
	[tilespmem:$0x19800] =	vst v63  }
0x20: {  	_ = 	snop  }
0x21: {  	[tilespmem:s20], [sflag:$0x1] =	stream.indirect.gather [hbm4b:s2+s12], $0x80, s19, s12, $0xb8;
	[tilespmem:$0x19800] =	vst v63  }
0x22: {  	_ = 	snop  }
0x23: {  	[tilespmem:s22], [sflag:$0x1] =	stream.indirect.gather [hbm4b:s2+s12], $0x80, s21, s12, $0xb8;
	[tilespmem:$0x19800] =	vst v63  }
0x24: {  	_ = 	snop  }
0x25: {  	[tilespmem:s24], [sflag:$0x1] =	stream.indirect.gather [hbm4b:s2+s12], $0x80, s23, s12, $0xb8;
	[tilespmem:$0x19800] =	vst v63  }
0x26: {  	_ = 	snop  }
0x27: {  	[tilespmem:s26], [sflag:$0x1] =	stream.indirect.gather [hbm4b:s2+s12], $0x80, s25, s12, $0xb8;
	[tilespmem:$0x19800] =	vst v63  }
0x28: {  	_ = 	snop  }
0x29: {  	[tilespmem:s29], [sflag:$0x1] =	stream.indirect.gather [hbm4b:s2+s12], $0x80, s28, s12, $0xb8;
	[tilespmem:$0x19800] =	vst v63  }
0x2a: {  	_ = 	snop  }
0x2b: {  	[tilespmem:s31], [sflag:$0x1] =	stream.indirect.gather [hbm4b:s2+s12], $0x80, s30, s12, $0xb8;
	[tilespmem:$0x19800] =	vst v63  }
0x2c: {  	_ =	swait.ge [sflag:s0], $0x2800  }
0x2d: {  	[sflag:s0] =	ssyncset.done $0x0  }
0x2e: {  	[sflag:s0] =	ssyncadd.s32 $0xFFFFD800  }
0x2f: {  	_ =	swait.ge [sflag:s0], $0x2800  }
0x30: {  	[sflag:s0] =	ssyncset.done $0x0  }
0x31: {  	[sflag:s0] =	ssyncadd.s32 $0xFFFFD800  }
0x32: {  	_ =	swait.ge [sflag:s0], $0x2800  }
0x33: {  	[sflag:s0] =	ssyncset.done $0x0  }
0x34: {  	[sflag:s0] =	ssyncadd.s32 $0xFFFFD800  }
0x35: {  	_ =	swait.ge [sflag:s0], $0x2800  }
0x36: {  	[sflag:s0] =	ssyncset.done $0x0  }
0x37: {  	[sflag:s0] =	ssyncadd.s32 $0xFFFFD800  }
0x38: {  	_ =	swait.ge [sflag:s0], $0x2800  }
0x39: {  	[sflag:s0] =	ssyncset.done $0x0  }
0x3a: {  	[sflag:s0] =	ssyncadd.s32 $0xFFFFD800  }
0x3b: {  	_ =	swait.ge [sflag:s0], $0x2800  }
0x3c: {  	[sflag:s0] =	ssyncset.done $0x0  }
0x3d: {  	[sflag:s0] =	ssyncadd.s32 $0xFFFFD800  }
0x3e: {  	_ =	swait.ge [sflag:s0], $0x2800  }
0x3f: {  	[sflag:s0] =	ssyncset.done $0x0  }
0x40: {  	[sflag:s0] =	ssyncadd.s32 $0xFFFFD800  }
0x41: {  	_ =	swait.ge [sflag:s0], $0x2800  }
0x42: {  	[sflag:s0] =	ssyncset.done $0x0  }
0x43: {  	[sflag:s0] =	ssyncadd.s32 $0xFFFFD800  }
0x44: {  	_ =	swait.ge [sflag:s0], $0x2800  }
0x45: {  	[sflag:s0] =	ssyncset.done $0x0  }
0x46: {  	[sflag:s0] =	ssyncadd.s32 $0xFFFFD800  }
0x47: {  	_ =	swait.ge [sflag:s0], $0x2800  }
0x48: {  	[sflag:s0] =	ssyncset.done $0x0  }
0x49: {  	s9 =	rddreg [dreg:$0x5];
	[sflag:s0] =	ssyncadd.s32 $0xFFFFD800  }
0x4a: {  	[hbm4b:s9+s3] =	stream.linear.scatter [tilespmem:s7], [sflag:$0x2], $0x19000, $0x38;
	[tilespmem:$0x19800] =	vst v63  }
0x4b: {  	s10 =	sadd.s32 $0x800, s6;
	_ =	swait.ge [sflag:s1], $0x19000  }
0x4c: {  	s8 =	sshrl.u32 s10, $0x3;
	[sflag:s1] =	ssyncset.done $0x0  }
0x4d: {  	s8 =	sadd.s32 s4, s8;
	[sflag:s1] =	ssyncadd.s32 $0xFFFE7000  }
0x4e: {  	[tilespmem:s3], [sflag:$0x3] =	stream.linear.gather [hbm4b:s8+s3], $0x500, $0x38;
	[tilespmem:$0x19800] =	vst v63  }
0x4f: {  	_ =	swait.ge [sflag:s11], $0x500  }
0x50: {  	[sflag:s11] =	ssyncset.done $0x0  }
0x51: {  	[sflag:s11] =	ssyncadd.s32 $0xFFFFFB00  }
0x52: {  	[tilespmem:s7], [sflag:$0x1] =	stream.indirect.gather [hbm4b:s2+s12], $0x80, s3, s12, $0xb8;
	[tilespmem:$0x19800] =	vst v63  }
0x53: {  	_ = 	snop  }
0x54: {  	[tilespmem:s14], [sflag:$0x1] =	stream.indirect.gather [hbm4b:s2+s12], $0x80, s13, s12, $0xb8;
	[tilespmem:$0x19800] =	vst v63  }
0x55: {  	_ = 	snop  }
0x56: {  	[tilespmem:s16], [sflag:$0x1] =	stream.indirect.gather [hbm4b:s2+s12], $0x80, s15, s12, $0xb8;
	[tilespmem:$0x19800] =	vst v63  }
0x57: {  	_ = 	snop  }
0x58: {  	[tilespmem:s18], [sflag:$0x1] =	stream.indirect.gather [hbm4b:s2+s12], $0x80, s17, s12, $0xb8;
	[tilespmem:$0x19800] =	vst v63  }
0x59: {  	_ = 	snop  }
0x5a: {  	[tilespmem:s20], [sflag:$0x1] =	stream.indirect.gather [hbm4b:s2+s12], $0x80, s19, s12, $0xb8;
	[tilespmem:$0x19800] =	vst v63  }
0x5b: {  	_ = 	snop  }
0x5c: {  	[tilespmem:s22], [sflag:$0x1] =	stream.indirect.gather [hbm4b:s2+s12], $0x80, s21, s12, $0xb8;
	[tilespmem:$0x19800] =	vst v63  }
0x5d: {  	_ = 	snop  }
0x5e: {  	[tilespmem:s24], [sflag:$0x1] =	stream.indirect.gather [hbm4b:s2+s12], $0x80, s23, s12, $0xb8;
	[tilespmem:$0x19800] =	vst v63  }
0x5f: {  	_ = 	snop  }
0x60: {  	[tilespmem:s26], [sflag:$0x1] =	stream.indirect.gather [hbm4b:s2+s12], $0x80, s25, s12, $0xb8;
	[tilespmem:$0x19800] =	vst v63  }
0x61: {  	_ = 	snop  }
0x62: {  	[tilespmem:s29], [sflag:$0x1] =	stream.indirect.gather [hbm4b:s2+s12], $0x80, s28, s12, $0xb8;
	[tilespmem:$0x19800] =	vst v63  }
0x63: {  	_ = 	snop  }
0x64: {  	[tilespmem:s31], [sflag:$0x1] =	stream.indirect.gather [hbm4b:s2+s12], $0x80, s30, s12, $0xb8;
	[tilespmem:$0x19800] =	vst v63  }
0x65: {  	_ =	swait.ge [sflag:s0], $0x2800  }
0x66: {  	[sflag:s0] =	ssyncset.done $0x0  }
0x67: {  	[sflag:s0] =	ssyncadd.s32 $0xFFFFD800  }
0x68: {  	_ =	swait.ge [sflag:s0], $0x2800  }
0x69: {  	[sflag:s0] =	ssyncset.done $0x0  }
0x6a: {  	[sflag:s0] =	ssyncadd.s32 $0xFFFFD800  }
0x6b: {  	_ =	swait.ge [sflag:s0], $0x2800  }
0x6c: {  	[sflag:s0] =	ssyncset.done $0x0  }
0x6d: {  	[sflag:s0] =	ssyncadd.s32 $0xFFFFD800  }
0x6e: {  	_ =	swait.ge [sflag:s0], $0x2800  }
0x6f: {  	[sflag:s0] =	ssyncset.done $0x0  }
0x70: {  	[sflag:s0] =	ssyncadd.s32 $0xFFFFD800  }
0x71: {  	_ =	swait.ge [sflag:s0], $0x2800  }
0x72: {  	[sflag:s0] =	ssyncset.done $0x0  }
0x73: {  	[sflag:s0] =	ssyncadd.s32 $0xFFFFD800  }
0x74: {  	_ =	swait.ge [sflag:s0], $0x2800  }
0x75: {  	[sflag:s0] =	ssyncset.done $0x0  }
0x76: {  	[sflag:s0] =	ssyncadd.s32 $0xFFFFD800  }
0x77: {  	_ =	swait.ge [sflag:s0], $0x2800  }
0x78: {  	[sflag:s0] =	ssyncset.done $0x0  }
0x79: {  	[sflag:s0] =	ssyncadd.s32 $0xFFFFD800  }
0x7a: {  	_ =	swait.ge [sflag:s0], $0x2800  }
0x7b: {  	[sflag:s0] =	ssyncset.done $0x0  }
0x7c: {  	[sflag:s0] =	ssyncadd.s32 $0xFFFFD800  }
0x7d: {  	_ =	swait.ge [sflag:s0], $0x2800  }
0x7e: {  	[sflag:s0] =	ssyncset.done $0x0  }
0x7f: {  	[sflag:s0] =	ssyncadd.s32 $0xFFFFD800  }
0x80: {  	_ =	swait.ge [sflag:s0], $0x2800  }
0x81: {  	s10 =	rddreg [dreg:$0x6]  }
0x82: {  	s9 =	simm.s32 $0x1000;
	[sflag:s0] =	ssyncset.done $0x0;
	s8 =	sshrl.u32 s10, $0x3  }
0x83: {  	[sflag:s0] =	ssyncadd.s32 $0xFFFFD800;
	s10 =	sadd.s32 $0x19000, s10;
	s8 =	sadd.s32 s5, s8  }
.LBB2_2:
0x84: {  	[hbm4b:s8+s3] =	stream.linear.scatter [tilespmem:s7], [sflag:$0x2], $0x19000, $0x38;
	[tilespmem:$0x19800] =	vst v63  }
0x85: {  	s8 =	sadd.s32 s9, s6;
	p0 =	sne.s32 s9, $0xC000;
	_ =	swait.ge [sflag:s1], $0x19000  }
0x86: {  	s9 =	sadd.s32 $0x800, s9;
	s8 =	sshrl.u32 s8, $0x3;
	[sflag:s1] =	ssyncset.done $0x0  }
0x87: {  	s8 =	sadd.s32 s4, s8;
	[sflag:s1] =	ssyncadd.s32 $0xFFFE7000  }
0x88: {  	[tilespmem:s3], [sflag:$0x3] =	stream.linear.gather [hbm4b:s8+s3], $0x500, $0x38;
	[tilespmem:$0x19800] =	vst v63  }
0x89: {  	_ =	swait.ge [sflag:s11], $0x500  }
0x8a: {  	[sflag:s11] =	ssyncset.done $0x0  }
0x8b: {  	[sflag:s11] =	ssyncadd.s32 $0xFFFFFB00  }
0x8c: {  	[tilespmem:s7], [sflag:$0x1] =	stream.indirect.gather [hbm4b:s2+s12], $0x80, s3, s12, $0xb8;
	[tilespmem:$0x19800] =	vst v63  }
0x8d: {  	_ = 	snop  }
0x8e: {  	[tilespmem:s14], [sflag:$0x1] =	stream.indirect.gather [hbm4b:s2+s12], $0x80, s13, s12, $0xb8;
	[tilespmem:$0x19800] =	vst v63  }
0x8f: {  	_ = 	snop  }
0x90: {  	[tilespmem:s16], [sflag:$0x1] =	stream.indirect.gather [hbm4b:s2+s12], $0x80, s15, s12, $0xb8;
	[tilespmem:$0x19800] =	vst v63  }
0x91: {  	_ = 	snop  }
0x92: {  	[tilespmem:s18], [sflag:$0x1] =	stream.indirect.gather [hbm4b:s2+s12], $0x80, s17, s12, $0xb8;
	[tilespmem:$0x19800] =	vst v63  }
0x93: {  	_ = 	snop  }
0x94: {  	[tilespmem:s20], [sflag:$0x1] =	stream.indirect.gather [hbm4b:s2+s12], $0x80, s19, s12, $0xb8;
	[tilespmem:$0x19800] =	vst v63  }
0x95: {  	_ = 	snop  }
0x96: {  	[tilespmem:s22], [sflag:$0x1] =	stream.indirect.gather [hbm4b:s2+s12], $0x80, s21, s12, $0xb8;
	[tilespmem:$0x19800] =	vst v63  }
0x97: {  	_ = 	snop  }
0x98: {  	[tilespmem:s24], [sflag:$0x1] =	stream.indirect.gather [hbm4b:s2+s12], $0x80, s23, s12, $0xb8;
	[tilespmem:$0x19800] =	vst v63  }
0x99: {  	_ = 	snop  }
0x9a: {  	[tilespmem:s26], [sflag:$0x1] =	stream.indirect.gather [hbm4b:s2+s12], $0x80, s25, s12, $0xb8;
	[tilespmem:$0x19800] =	vst v63  }
0x9b: {  	_ = 	snop  }
0x9c: {  	[tilespmem:s29], [sflag:$0x1] =	stream.indirect.gather [hbm4b:s2+s12], $0x80, s28, s12, $0xb8;
	[tilespmem:$0x19800] =	vst v63  }
0x9d: {  	_ = 	snop  }
0x9e: {  	[tilespmem:s31], [sflag:$0x1] =	stream.indirect.gather [hbm4b:s2+s12], $0x80, s30, s12, $0xb8;
	[tilespmem:$0x19800] =	vst v63  }
0x9f: {  	_ =	swait.ge [sflag:s0], $0x2800  }
0xa0: {  	[sflag:s0] =	ssyncset.done $0x0  }
0xa1: {  	[sflag:s0] =	ssyncadd.s32 $0xFFFFD800  }
0xa2: {  	_ =	swait.ge [sflag:s0], $0x2800  }
0xa3: {  	[sflag:s0] =	ssyncset.done $0x0  }
0xa4: {  	[sflag:s0] =	ssyncadd.s32 $0xFFFFD800  }
0xa5: {  	_ =	swait.ge [sflag:s0], $0x2800  }
0xa6: {  	[sflag:s0] =	ssyncset.done $0x0  }
0xa7: {  	[sflag:s0] =	ssyncadd.s32 $0xFFFFD800  }
0xa8: {  	_ =	swait.ge [sflag:s0], $0x2800  }
0xa9: {  	[sflag:s0] =	ssyncset.done $0x0  }
0xaa: {  	[sflag:s0] =	ssyncadd.s32 $0xFFFFD800  }
0xab: {  	_ =	swait.ge [sflag:s0], $0x2800  }
0xac: {  	[sflag:s0] =	ssyncset.done $0x0  }
0xad: {  	[sflag:s0] =	ssyncadd.s32 $0xFFFFD800  }
0xae: {  	_ =	swait.ge [sflag:s0], $0x2800  }
0xaf: {  	[sflag:s0] =	ssyncset.done $0x0  }
0xb0: {  	[sflag:s0] =	ssyncadd.s32 $0xFFFFD800  }
0xb1: {  	_ =	swait.ge [sflag:s0], $0x2800  }
0xb2: {  	[sflag:s0] =	ssyncset.done $0x0  }
0xb3: {  	[sflag:s0] =	ssyncadd.s32 $0xFFFFD800  }
0xb4: {  	_ =	swait.ge [sflag:s0], $0x2800  }
0xb5: {  	[sflag:s0] =	ssyncset.done $0x0  }
0xb6: {  	[sflag:s0] =	ssyncadd.s32 $0xFFFFD800  }
0xb7: {  	_ =	swait.ge [sflag:s0], $0x2800  }
.Ltmp0:
0xb8: {  	[sflag:s0] =	ssyncset.done $0x0;
	(pc) =	sbr.rel @p0 .LBB2_2-.Ltmp0, $4  }
0xb9: {  	[sflag:s0] =	ssyncadd.s32 $0xFFFFD800  }
0xba: {  	_ =	swait.ge [sflag:s0], $0x2800  }
0xbb: {  	s8 =	sshrl.u32 s10, $0x3;
	[sflag:s0] =	ssyncset.done $0x0  }
0xbc: {  	s10 =	sadd.s32 $0x19000, s10;
	s8 =	sadd.s32 s5, s8;
	[sflag:s0] =	ssyncadd.s32 $0xFFFFD800  }
0xbd: {  	[hbm4b:s8+s3] =	stream.linear.scatter [tilespmem:s7], [sflag:$0x2], $0x19000, $0x38;
	[tilespmem:$0x19800] =	vst v63  }
0xbe: {  	_ =	swait.ge [sflag:s1], $0x19000  }
0xbf: {  	s9 =	rddreg [dreg:$0x7]  }
0xc0: {  	s10 =	rddreg [dreg:$0x3];
	s9 =	sadd.s32 $0x1, s9  }
0xc1: {  	p0 =	sne.s32 s9, s10  }
.Ltmp1:
0xc2: {  	_ = 	snop;
	(pc) =	sbr.rel @p0 .LBB2_1-.Ltmp1, $3  }
0xc3: {  	_ =	sdelay $0x1  }
0xc4: {  	[sflag:s1] =	ssyncset.done $0x0  }
0xc5: {  	[sflag:s1] =	ssyncadd.s32 $0xFFFE7000  }
0xc6: {  	_ =	sfence.sel $0x180000  }
0xc7: {  	[bflag:$0x0] =	sbarrier.arrive $0xFFFF  }
0xc8: {  	_ =	strace $0x90000047  }
0xc9: {  	s0 =	stileid.u32;
	[bflag:$0x2] =	sbarrier.arrive $0xFFFF  }
0xca: {  	p0 =	sne.s32 s0, $0x0;
	s0 =	rddreg [dreg:$0x2]  }
0xcb: {  	s0 =	sadd.s32 @!p0 $0x100000, s0  }
0xcc: {  	[sflag:s0] =	ssyncadd.tile.s32 @!p0 $0x1;
	_ =	shalt  }
.Lfunc_end2:
_tile_overlayer_lowered:
.L_overlay_start_2:
0xcd: {  	(tag) =	ssettag $0x2  }
0xce: {  	s0 =	rddreg [dreg:$0x0];
	s2 =	stileid.u32  }
0xcf: {  	s1 =	rddreg [dreg:$0x1];
	p0 =	sne.s32 s2, $0x0  }
0xd0: {  	s3 =	rddreg [dreg:$0x2];
	[bflag:$0x3] =	sbarrier.arrive $0xFFFF;
	s2 =	simm.s32 @!p0 $0x1C03  }
0xd1: {  	[timem:s3], [sflag:s2] =	dma.local @!p0 [hbm:s0], s1  }
0xd2: {  	s0 =	simm.s32 @!p0 $0x3  }
0xd3: {  	_ =	swait.ge @!p0 [sflag:s0], s1  }
0xd4: {  	s1 =	ssub.s32 @!p0 $0x0, s1;
	[sflag:s0] =	ssyncset.done @!p0 $0x0  }
0xd5: {  	[sflag:s0] =	ssyncadd.s32 @!p0 s1  }
0xd6: {  	[bflag:$0x3] =	sbarrier.arrive $0xFFFF  }
0xd7: {  	_ =	shalt  }

</sc_bundles>
